<compile_context>
chip_gen: v7x
topology: tpu7x:2x2x1
jax: 0.10.2.dev20260603
libtpu: 0.0.44.dev20260713+nightly
codegen_flags: <defaults>
</compile_context>

<pallas_src>
import functools

import jax
import jax.numpy as jnp
from jax import lax
from jax.experimental import pallas as pl
from jax.experimental.pallas import tpu as pltpu
from jax.experimental.pallas import tpu_sc as plsc

N = 10000
D = 128
E = 320000

NC = 2
NS = 16
NW = NC * NS

CHUNK = 128
NCH = -(-E // (NW * CHUNK))
EP = NW * NCH * CHUNK
N_ACC = 10112
RPT = N_ACC // NS

_MESH = dict(core_axis_name="c", subcore_axis_name="s", num_cores=NC,
             num_subcores=NS)


@functools.partial(
    pl.kernel,
    out_type=jax.ShapeDtypeStruct((NC, N_ACC, D), jnp.float32),
    mesh=plsc.VectorSubcoreMesh(**_MESH),
    scratch_types=[
        pltpu.VMEM((NCH, CHUNK), jnp.int32),
        pltpu.VMEM((NCH, CHUNK), jnp.int32),
        pltpu.VMEM((NCH, CHUNK), jnp.int32),
        pltpu.VMEM((CHUNK, D), jnp.float32),
        pltpu.VMEM_SHARED((N_ACC, D), jnp.float32),
        pltpu.SemaphoreType.DMA,
    ],
)
def _sc_aggregate(feat_hbm, edges_hbm, zeros_hbm, dep_hbm, acc_out,
                  packed_v, idx_row_v, idx_col_v, rows_v, acc_sh, sem):
    del dep_hbm
    c = lax.axis_index("c")
    s = lax.axis_index("s")
    w = c * NS + s

    pltpu.sync_copy(zeros_hbm.at[pl.ds(s * RPT, RPT)],
                    acc_sh.at[pl.ds(s * RPT, RPT)])
    pltpu.sync_copy(edges_hbm.at[w], packed_v)

    def unpack(j, carry):
        for k in range(CHUNK // 16):
            p = packed_v[j, pl.ds(k * 16, 16)]
            idx_row_v[j, pl.ds(k * 16, 16)] = lax.shift_right_logical(p, 16)
            idx_col_v[j, pl.ds(k * 16, 16)] = lax.bitwise_and(p, 0xFFFF)
        return carry

    lax.fori_loop(0, NCH, unpack, 0)
    plsc.subcore_barrier()

    def step(j, carry):
        pltpu.async_copy(feat_hbm.at[idx_col_v.at[j]], rows_v, sem).wait()
        pltpu.sync_copy(rows_v, acc_sh.at[idx_row_v.at[j]], add=True)
        return carry

    lax.fori_loop(0, NCH, step, 0)
    plsc.subcore_barrier()

    pltpu.sync_copy(acc_sh.at[pl.ds(s * RPT, RPT)],
                    acc_out.at[c, pl.ds(s * RPT, RPT)])


@functools.partial(
    pl.kernel,
    out_type=jax.ShapeDtypeStruct((NC, N_ACC, D), jnp.float32),
    mesh=plsc.VectorSubcoreMesh(**_MESH),
    scratch_types=[
        pltpu.VMEM((NCH, CHUNK), jnp.int32),
        pltpu.VMEM((NCH, CHUNK), jnp.int32),
        pltpu.VMEM((CHUNK, D), jnp.float32),
        pltpu.VMEM_SHARED((N_ACC, D), jnp.float32),
    ],
)
def _sc_degree(edges_hbm, zeros_hbm, deg_out,
               packed_v, idx_row_v, ones_v, deg_sh):
    c = lax.axis_index("c")
    s = lax.axis_index("s")
    w = c * NS + s

    pltpu.sync_copy(zeros_hbm.at[pl.ds(s * RPT, RPT)],
                    deg_sh.at[pl.ds(s * RPT, RPT)])
    pltpu.sync_copy(edges_hbm.at[w], packed_v)

    def unpack(j, carry):
        for k in range(CHUNK // 16):
            p = packed_v[j, pl.ds(k * 16, 16)]
            idx_row_v[j, pl.ds(k * 16, 16)] = lax.shift_right_logical(p, 16)
        return carry

    lax.fori_loop(0, NCH, unpack, 0)

    lane0 = jnp.where(lax.iota(jnp.int32, 16) == 0, 1.0, 0.0)
    zrow = jnp.zeros((16,), jnp.float32)

    def initones(i, carry):
        ones_v[i, pl.ds(0, 16)] = lane0
        for k in range(1, D // 16):
            ones_v[i, pl.ds(k * 16, 16)] = zrow
        return carry

    lax.fori_loop(0, CHUNK, initones, 0)
    plsc.subcore_barrier()

    def step(j, carry):
        pltpu.sync_copy(ones_v, deg_sh.at[idx_row_v.at[j]], add=True)
        return carry

    lax.fori_loop(0, NCH, step, 0)
    plsc.subcore_barrier()
    pltpu.sync_copy(deg_sh.at[pl.ds(s * RPT, RPT)],
                    deg_out.at[c, pl.ds(s * RPT, RPT)])


RB = N_ACC // 4


def _mm_body(x_ref, w_ref, o_ref):
    o_ref[...] = jnp.dot(x_ref[...], w_ref[...],
                         preferred_element_type=jnp.float32)


def _tc_matmul(xp, w):
    return pl.pallas_call(
        _mm_body,
        grid=(4,),
        in_specs=[pl.BlockSpec((RB, D), lambda i: (i, 0)),
                  pl.BlockSpec((D, D), lambda i: (0, 0))],
        out_specs=pl.BlockSpec((RB, D), lambda i: (i, 0)),
        out_shape=jax.ShapeDtypeStruct((N_ACC, D), jnp.float32),
    )(xp, w)


def _combine_body(a_ref, d_ref, b_ref, w_ref, o_ref):
    s = a_ref[0] + a_ref[1]
    dg = d_ref[0, :, 0:1] + d_ref[1, :, 0:1]
    h = s * (1.0 / jnp.maximum(dg, 1.0)) + b_ref[...]
    h = jnp.where(h >= 0, h, 0.2 * h)
    o_ref[...] = jnp.dot(h, w_ref[...], preferred_element_type=jnp.float32)


def _tc_combine_mm(acc, deg, b1, w2):
    return pl.pallas_call(
        _combine_body,
        grid=(4,),
        in_specs=[pl.BlockSpec((NC, RB, D), lambda i: (0, i, 0)),
                  pl.BlockSpec((NC, RB, D), lambda i: (0, i, 0)),
                  pl.BlockSpec((1, D), lambda i: (0, 0)),
                  pl.BlockSpec((D, D), lambda i: (0, 0))],
        out_specs=pl.BlockSpec((RB, D), lambda i: (i, 0)),
        out_shape=jax.ShapeDtypeStruct((N_ACC, D), jnp.float32),
    )(acc, deg, b1, w2)


RBF = N // 5


def _final_body(a_ref, d_ref, b_ref, o_ref):
    s = a_ref[0] + a_ref[1]
    dg = d_ref[0, :, 0:1] + d_ref[1, :, 0:1]
    h = s * (1.0 / jnp.maximum(dg, 1.0)) + b_ref[...]
    nrm = jnp.sqrt(jnp.sum(h * h, axis=1, keepdims=True))
    o_ref[...] = h / jnp.maximum(nrm, 1e-12)


def _tc_finalize(acc, deg, b2):
    return pl.pallas_call(
        _final_body,
        grid=(5,),
        in_specs=[pl.BlockSpec((NC, RBF, D), lambda i: (0, i, 0)),
                  pl.BlockSpec((NC, RBF, D), lambda i: (0, i, 0)),
                  pl.BlockSpec((1, D), lambda i: (0, 0))],
        out_specs=pl.BlockSpec((RBF, D), lambda i: (i, 0)),
        out_shape=jax.ShapeDtypeStruct((N, D), jnp.float32),
    )(acc, deg, b2)


def kernel(x, edge_index, W1, b1, W2, b2):
    row = edge_index[0].astype(jnp.int32)
    col = edge_index[1].astype(jnp.int32)
    pad = EP - E
    packed = jnp.concatenate([
        jnp.left_shift(row, 16) | col,
        jnp.full((pad,), N << 16, jnp.int32),
    ]).reshape(NW, NCH, CHUNK)
    xp = jnp.pad(x, ((0, N_ACC - N), (0, 0)))
    zeros = jnp.zeros((N_ACC, D), jnp.float32)

    deg = _sc_degree(packed, zeros)
    xw1 = _tc_matmul(xp, W1)
    acc1 = _sc_aggregate(xw1, packed, zeros, deg)
    h1w2 = _tc_combine_mm(acc1, deg, b1.reshape(1, D), W2)
    acc2 = _sc_aggregate(h1w2, packed, zeros, acc1)
    return _tc_finalize(acc2, deg, b2.reshape(1, D))

# --- scband reference (transcript-rebuilt; emitter-appended) ---
"""Pipeline reference for scband-gcn-64957085384720 (READ-ONLY COPY).

The authoritative reference and input builder live on the scoring server;
editing this copy changes nothing except your own understanding.
"""

import jax, jax.numpy as jnp
import numpy as np

N = 10000
E = 320000
D_IN = 128
D_HID = 128
D_OUT = 128


def _xavier(key, fan_in, fan_out):
    limit = float(np.sqrt(6.0 / (fan_in + fan_out)))
    return jax.random.uniform(key, (fan_in, fan_out), dtype=jnp.float32, minval=-limit, maxval=limit)


def setup_inputs(seed: int = 0) -> dict:
    key = jax.random.key(seed)
    ks = jax.random.split(key, 6)
    x = jax.random.normal(ks[0], (N, D_IN), dtype=jnp.float32)
    src = jax.random.randint(ks[1], (E,), 0, N)
    dst = jax.random.randint(ks[2], (E,), 0, N)
    edge_index = jnp.stack([src, dst], axis=0)  # [2, E]; row=dst-row of adj, col=src
    W1 = _xavier(ks[3], D_IN, D_HID)
    b1 = jnp.zeros((D_HID,), dtype=jnp.float32)
    W2 = _xavier(ks[4], D_HID, D_OUT)
    b2 = jnp.zeros((D_OUT,), dtype=jnp.float32)
    return {"x": x, "edge_index": edge_index, "W1": W1, "b1": b1, "W2": W2, "b2": b2}


def reference(x, edge_index, W1, b1, W2, b2):
    # adj = coo(ones, (edges[:,0], edges[:,1])), shape (N, N); normt_spm(adj, 'in')
    # row-normalizes each row of adj by its row-sum (in-degree), then spmm.
    row = edge_index[0].astype(jnp.int32)
    col = edge_index[1].astype(jnp.int32)
    n = x.shape[0]
    deg = jax.ops.segment_sum(jnp.ones(row.shape[0], dtype=jnp.float32), row, num_segments=n)
    vals = 1.0 / jnp.maximum(deg, 1.0)
    ev = vals[row]  # per-edge normalized value

    def spmm(h):
        # (adj @ h)[i] = sum_{(i,j) in E} ev * h[j]
        return jax.ops.segment_sum(ev[:, None] * h[col], row, num_segments=n)

    # GraphConv 1: h = LeakyReLU(adj^k (x @ W1) + b1), k=1
    h = spmm(x @ W1) + b1
    h = jax.nn.leaky_relu(h, negative_slope=0.2)
    # GraphConv last (no relu): h = adj^k (h @ W2) + b2, k=1
    h = spmm(h @ W2) + b2
    # F.normalize (L2 per row, eps=1e-12)
    nrm = jnp.linalg.norm(h, axis=1, keepdims=True)
    return h / jnp.maximum(nrm, 1e-12)

if __name__ == "__main__":
    import jax
    _d = setup_inputs()
    print(jax.jit(kernel)(*tuple(_d.values())))

</pallas_src>

<mosaic_0001>
#map = affine_map<(d0, d1) -> (0, 0)>
#map1 = affine_map<(d0, d1) -> (0, 0, 0)>
module attributes {stable_mosaic.version = 14 : i64} {
  func.func @_sc_aggregate(%arg0: i32, %arg1: i32, %arg2: memref<10112x128xf32, #tpu.memory_space<hbm>>, %arg3: memref<32x79x128xi32, #tpu.memory_space<hbm>>, %arg4: memref<10112x128xf32, #tpu.memory_space<hbm>>, %arg5: memref<2x10112x128xf32, #tpu.memory_space<hbm>>, %arg6: memref<2x10112x128xf32, #tpu.memory_space<hbm>>, %arg7: memref<79x128xi32, #tpu.memory_space<vmem>>, %arg8: memref<79x128xi32, #tpu.memory_space<vmem>>, %arg9: memref<79x128xi32, #tpu.memory_space<vmem>>, %arg10: memref<128x128xf32, #tpu.memory_space<vmem>>, %arg11: memref<10112x128xf32, #tpu.memory_space<vmem_shared>>, %arg12: memref<!tpu.dma_semaphore, #tpu.memory_space<semaphore_mem>>) attributes {dimension_semantics = [#tpu.dimension_semantics<core_parallel>, #tpu.dimension_semantics<subcore_parallel>], iteration_bounds = array<i64: 2, 16>, scalar_prefetch = 0 : i64, scratch_operands = 6 : i64, tpu.core_type = #tpu.core_type<sc_vector_subcore>, window_params = [{transform_indices = #map}, {transform_indices = #map1}, {transform_indices = #map}, {transform_indices = #map1}, {transform_indices = #map1}]} {
    %mul3A = arith.constant 16 : i32
    %mul3A_0 = arith.muli %arg0, %mul3A : i32
    %add3A = arith.addi %mul3A_0, %arg1 : i32
    %mul3A_1 = arith.constant 632 : i32
    %mul3A_2 = arith.muli %arg1, %mul3A_1 : i32
    %mul3A_3 = arith.constant 632 : i32
    %mul3A_4 = arith.muli %arg1, %mul3A_3 : i32
    "tpu.region"() ({
      %run_scoped3A = tpu.sem_alloc : memref<!tpu.dma_semaphore, #tpu.memory_space<semaphore_mem>>
      %dma_start3A = arith.constant 0 : i32
      %dma_start3A_21 = tpu.memref_slice %arg11[%mul3A_4, %dma_start3A] : memref<10112x128xf32, #tpu.memory_space<vmem_shared>> -> memref<632x128xf32, #tpu.memory_space<vmem_shared>>
      %dma_start3A_22 = arith.constant 0 : i32
      %dma_start3A_23 = tpu.memref_slice %arg4[%mul3A_2, %dma_start3A_22] : memref<10112x128xf32, #tpu.memory_space<hbm>> -> memref<632x128xf32, #tpu.memory_space<hbm>>
      tpu.enqueue_dma source(%dma_start3A_23 : memref<632x128xf32, #tpu.memory_space<hbm>>) target(%dma_start3A_21 : memref<632x128xf32, #tpu.memory_space<vmem_shared>>) target_semaphore(%run_scoped3A : memref<!tpu.dma_semaphore, #tpu.memory_space<semaphore_mem>>)
      %dma_wait3A = arith.constant 0 : i32
      %dma_wait3A_24 = tpu.memref_slice %arg11[%mul3A_4, %dma_wait3A] : memref<10112x128xf32, #tpu.memory_space<vmem_shared>> -> memref<632x128xf32, #tpu.memory_space<vmem_shared>>
      %dma_wait3A_25 = arith.constant 0 : i32
      %dma_wait3A_26 = tpu.memref_slice %arg4[%mul3A_2, %dma_wait3A_25] : memref<10112x128xf32, #tpu.memory_space<hbm>> -> memref<632x128xf32, #tpu.memory_space<hbm>>
      tpu.wait_dma2 semaphore(%run_scoped3A : memref<!tpu.dma_semaphore, #tpu.memory_space<semaphore_mem>>) src(%dma_wait3A_26 : memref<632x128xf32, #tpu.memory_space<hbm>>) dst(%dma_wait3A_24 : memref<632x128xf32, #tpu.memory_space<vmem_shared>>)
      tpu.yield
    }) : () -> ()
    "tpu.region"() ({
      %run_scoped3A = tpu.sem_alloc : memref<!tpu.dma_semaphore, #tpu.memory_space<semaphore_mem>>
      %dma_start3A = arith.constant 0 : i32
      %dma_start3A_21 = arith.constant 0 : i32
      %dma_start3A_22 = tpu.memref_slice %arg3[%add3A, %dma_start3A, %dma_start3A_21] : memref<32x79x128xi32, #tpu.memory_space<hbm>> -> memref<1x79x128xi32, #tpu.memory_space<hbm>>
      %dma_start3A_23 = tpu.memref_squeeze %dma_start3A_22 : memref<1x79x128xi32, #tpu.memory_space<hbm>> -> memref<79x128xi32, #tpu.memory_space<hbm>>
      %dma_start3A_24 = arith.constant 0 : i32
      %dma_start3A_25 = arith.constant 0 : i32
      %dma_start3A_26 = tpu.memref_slice %arg3[%add3A, %dma_start3A_24, %dma_start3A_25] : memref<32x79x128xi32, #tpu.memory_space<hbm>> -> memref<1x79x128xi32, #tpu.memory_space<hbm>>
      %dma_start3A_27 = tpu.memref_squeeze %dma_start3A_26 : memref<1x79x128xi32, #tpu.memory_space<hbm>> -> memref<79x128xi32, #tpu.memory_space<hbm>>
      tpu.enqueue_dma source(%dma_start3A_27 : memref<79x128xi32, #tpu.memory_space<hbm>>) target(%arg7 : memref<79x128xi32, #tpu.memory_space<vmem>>) target_semaphore(%run_scoped3A : memref<!tpu.dma_semaphore, #tpu.memory_space<semaphore_mem>>)
      %dma_wait3A = arith.constant 0 : i32
      %dma_wait3A_28 = arith.constant 0 : i32
      %dma_wait3A_29 = tpu.memref_slice %arg3[%add3A, %dma_wait3A, %dma_wait3A_28] : memref<32x79x128xi32, #tpu.memory_space<hbm>> -> memref<1x79x128xi32, #tpu.memory_space<hbm>>
      %dma_wait3A_30 = tpu.memref_squeeze %dma_wait3A_29 : memref<1x79x128xi32, #tpu.memory_space<hbm>> -> memref<79x128xi32, #tpu.memory_space<hbm>>
      %dma_wait3A_31 = arith.constant 0 : i32
      %dma_wait3A_32 = arith.constant 0 : i32
      %dma_wait3A_33 = tpu.memref_slice %arg3[%add3A, %dma_wait3A_31, %dma_wait3A_32] : memref<32x79x128xi32, #tpu.memory_space<hbm>> -> memref<1x79x128xi32, #tpu.memory_space<hbm>>
      %dma_wait3A_34 = tpu.memref_squeeze %dma_wait3A_33 : memref<1x79x128xi32, #tpu.memory_space<hbm>> -> memref<79x128xi32, #tpu.memory_space<hbm>>
      tpu.wait_dma2 semaphore(%run_scoped3A : memref<!tpu.dma_semaphore, #tpu.memory_space<semaphore_mem>>) src(%dma_wait3A_34 : memref<79x128xi32, #tpu.memory_space<hbm>>) dst(%arg7 : memref<79x128xi32, #tpu.memory_space<vmem>>)
      tpu.yield
    }) : () -> ()
    %scan3A = arith.constant 0 : i32
    %scan3A_5 = arith.constant 0 : i32
    %scan3A_6 = arith.constant 79 : i32
    %scan3A_7 = arith.addi %scan3A_5, %scan3A_6 : i32
    %scan3A_8 = arith.constant 1 : i32
    scf.for %scan3A_21 = %scan3A_5 to %scan3A_7 step %scan3A_8  : i32 {
      %get3A = arith.index_cast %scan3A_21 : i32 to index
      %get3A_22 = arith.constant 0 : index
      %get3A_23 = tpu.vector_load %arg7[%get3A, %get3A_22] {strides = array<i32>} : memref<79x128xi32, #tpu.memory_space<vmem>>, vector<1x16xi32>,
      %get3A_24 = vector.shape_cast %get3A_23 : vector<1x16xi32> to vector<16xi32>
      %shift_right_logical3A = arith.constant 16 : i32
      %shift_right_logical3A_25 = vector.broadcast %shift_right_logical3A : i32 to vector<16xi32>
      %shift_right_logical3A_26 = arith.shrui %get3A_24, %shift_right_logical3A_25 : vector<16xi32>
      %swap3A = arith.index_cast %scan3A_21 : i32 to index
      %swap3A_27 = arith.constant 0 : index
      %swap3A_28 = tpu.vector_load %arg8[%swap3A, %swap3A_27] {strides = array<i32>} : memref<79x128xi32, #tpu.memory_space<vmem>>, vector<1x16xi32>,
      %swap3A_29 = vector.shape_cast %swap3A_28 : vector<1x16xi32> to vector<16xi32>
      %swap3A_30 = vector.shape_cast %shift_right_logical3A_26 : vector<16xi32> to vector<1x16xi32>
      tpu.vector_store %arg8[%swap3A, %swap3A_27], %swap3A_30 {strides = array<i32>} : memref<79x128xi32, #tpu.memory_space<vmem>>, vector<1x16xi32>,
      %and3A = arith.constant 65535 : i32
      %and3A_31 = vector.broadcast %and3A : i32 to vector<16xi32>
      %and3A_32 = arith.andi %get3A_24, %and3A_31 : vector<16xi32>
      %swap3A_33 = arith.index_cast %scan3A_21 : i32 to index
      %swap3A_34 = arith.constant 0 : index
      %swap3A_35 = tpu.vector_load %arg9[%swap3A_33, %swap3A_34] {strides = array<i32>} : memref<79x128xi32, #tpu.memory_space<vmem>>, vector<1x16xi32>,
      %swap3A_36 = vector.shape_cast %swap3A_35 : vector<1x16xi32> to vector<16xi32>
      %swap3A_37 = vector.shape_cast %and3A_32 : vector<16xi32> to vector<1x16xi32>
      tpu.vector_store %arg9[%swap3A_33, %swap3A_34], %swap3A_37 {strides = array<i32>} : memref<79x128xi32, #tpu.memory_space<vmem>>, vector<1x16xi32>,
      %get3A_38 = arith.index_cast %scan3A_21 : i32 to index
      %get3A_39 = arith.constant 16 : index
      %get3A_40 = tpu.vector_load %arg7[%get3A_38, %get3A_39] {strides = array<i32>} : memref<79x128xi32, #tpu.memory_space<vmem>>, vector<1x16xi32>,
      %get3A_41 = vector.shape_cast %get3A_40 : vector<1x16xi32> to vector<16xi32>
      %shift_right_logical3A_42 = arith.constant 16 : i32
      %shift_right_logical3A_43 = vector.broadcast %shift_right_logical3A_42 : i32 to vector<16xi32>
      %shift_right_logical3A_44 = arith.shrui %get3A_41, %shift_right_logical3A_43 : vector<16xi32>
      %swap3A_45 = arith.index_cast %scan3A_21 : i32 to index
      %swap3A_46 = arith.constant 16 : index
      %swap3A_47 = tpu.vector_load %arg8[%swap3A_45, %swap3A_46] {strides = array<i32>} : memref<79x128xi32, #tpu.memory_space<vmem>>, vector<1x16xi32>,
      %swap3A_48 = vector.shape_cast %swap3A_47 : vector<1x16xi32> to vector<16xi32>
      %swap3A_49 = vector.shape_cast %shift_right_logical3A_44 : vector<16xi32> to vector<1x16xi32>
      tpu.vector_store %arg8[%swap3A_45, %swap3A_46], %swap3A_49 {strides = array<i32>} : memref<79x128xi32, #tpu.memory_space<vmem>>, vector<1x16xi32>,
      %and3A_50 = arith.constant 65535 : i32
      %and3A_51 = vector.broadcast %and3A_50 : i32 to vector<16xi32>
      %and3A_52 = arith.andi %get3A_41, %and3A_51 : vector<16xi32>
      %swap3A_53 = arith.index_cast %scan3A_21 : i32 to index
      %swap3A_54 = arith.constant 16 : index
      %swap3A_55 = tpu.vector_load %arg9[%swap3A_53, %swap3A_54] {strides = array<i32>} : memref<79x128xi32, #tpu.memory_space<vmem>>, vector<1x16xi32>,
      %swap3A_56 = vector.shape_cast %swap3A_55 : vector<1x16xi32> to vector<16xi32>
      %swap3A_57 = vector.shape_cast %and3A_52 : vector<16xi32> to vector<1x16xi32>
      tpu.vector_store %arg9[%swap3A_53, %swap3A_54], %swap3A_57 {strides = array<i32>} : memref<79x128xi32, #tpu.memory_space<vmem>>, vector<1x16xi32>,
      %get3A_58 = arith.index_cast %scan3A_21 : i32 to index
      %get3A_59 = arith.constant 32 : index
      %get3A_60 = tpu.vector_load %arg7[%get3A_58, %get3A_59] {strides = array<i32>} : memref<79x128xi32, #tpu.memory_space<vmem>>, vector<1x16xi32>,
      %get3A_61 = vector.shape_cast %get3A_60 : vector<1x16xi32> to vector<16xi32>
      %shift_right_logical3A_62 = arith.constant 16 : i32
      %shift_right_logical3A_63 = vector.broadcast %shift_right_logical3A_62 : i32 to vector<16xi32>
      %shift_right_logical3A_64 = arith.shrui %get3A_61, %shift_right_logical3A_63 : vector<16xi32>
      %swap3A_65 = arith.index_cast %scan3A_21 : i32 to index
      %swap3A_66 = arith.constant 32 : index
      %swap3A_67 = tpu.vector_load %arg8[%swap3A_65, %swap3A_66] {strides = array<i32>} : memref<79x128xi32, #tpu.memory_space<vmem>>, vector<1x16xi32>,
      %swap3A_68 = vector.shape_cast %swap3A_67 : vector<1x16xi32> to vector<16xi32>
      %swap3A_69 = vector.shape_cast %shift_right_logical3A_64 : vector<16xi32> to vector<1x16xi32>
      tpu.vector_store %arg8[%swap3A_65, %swap3A_66], %swap3A_69 {strides = array<i32>} : memref<79x128xi32, #tpu.memory_space<vmem>>, vector<1x16xi32>,
      %and3A_70 = arith.constant 65535 : i32
      %and3A_71 = vector.broadcast %and3A_70 : i32 to vector<16xi32>
      %and3A_72 = arith.andi %get3A_61, %and3A_71 : vector<16xi32>
      %swap3A_73 = arith.index_cast %scan3A_21 : i32 to index
      %swap3A_74 = arith.constant 32 : index
      %swap3A_75 = tpu.vector_load %arg9[%swap3A_73, %swap3A_74] {strides = array<i32>} : memref<79x128xi32, #tpu.memory_space<vmem>>, vector<1x16xi32>,
      %swap3A_76 = vector.shape_cast %swap3A_75 : vector<1x16xi32> to vector<16xi32>
      %swap3A_77 = vector.shape_cast %and3A_72 : vector<16xi32> to vector<1x16xi32>
      tpu.vector_store %arg9[%swap3A_73, %swap3A_74], %swap3A_77 {strides = array<i32>} : memref<79x128xi32, #tpu.memory_space<vmem>>, vector<1x16xi32>,
      %get3A_78 = arith.index_cast %scan3A_21 : i32 to index
      %get3A_79 = arith.constant 48 : index
      %get3A_80 = tpu.vector_load %arg7[%get3A_78, %get3A_79] {strides = array<i32>} : memref<79x128xi32, #tpu.memory_space<vmem>>, vector<1x16xi32>,
      %get3A_81 = vector.shape_cast %get3A_80 : vector<1x16xi32> to vector<16xi32>
      %shift_right_logical3A_82 = arith.constant 16 : i32
      %shift_right_logical3A_83 = vector.broadcast %shift_right_logical3A_82 : i32 to vector<16xi32>
      %shift_right_logical3A_84 = arith.shrui %get3A_81, %shift_right_logical3A_83 : vector<16xi32>
      %swap3A_85 = arith.index_cast %scan3A_21 : i32 to index
      %swap3A_86 = arith.constant 48 : index
      %swap3A_87 = tpu.vector_load %arg8[%swap3A_85, %swap3A_86] {strides = array<i32>} : memref<79x128xi32, #tpu.memory_space<vmem>>, vector<1x16xi32>,
      %swap3A_88 = vector.shape_cast %swap3A_87 : vector<1x16xi32> to vector<16xi32>
      %swap3A_89 = vector.shape_cast %shift_right_logical3A_84 : vector<16xi32> to vector<1x16xi32>
      tpu.vector_store %arg8[%swap3A_85, %swap3A_86], %swap3A_89 {strides = array<i32>} : memref<79x128xi32, #tpu.memory_space<vmem>>, vector<1x16xi32>,
      %and3A_90 = arith.constant 65535 : i32
      %and3A_91 = vector.broadcast %and3A_90 : i32 to vector<16xi32>
      %and3A_92 = arith.andi %get3A_81, %and3A_91 : vector<16xi32>
      %swap3A_93 = arith.index_cast %scan3A_21 : i32 to index
      %swap3A_94 = arith.constant 48 : index
      %swap3A_95 = tpu.vector_load %arg9[%swap3A_93, %swap3A_94] {strides = array<i32>} : memref<79x128xi32, #tpu.memory_space<vmem>>, vector<1x16xi32>,
      %swap3A_96 = vector.shape_cast %swap3A_95 : vector<1x16xi32> to vector<16xi32>
      %swap3A_97 = vector.shape_cast %and3A_92 : vector<16xi32> to vector<1x16xi32>
      tpu.vector_store %arg9[%swap3A_93, %swap3A_94], %swap3A_97 {strides = array<i32>} : memref<79x128xi32, #tpu.memory_space<vmem>>, vector<1x16xi32>,
      %get3A_98 = arith.index_cast %scan3A_21 : i32 to index
      %get3A_99 = arith.constant 64 : index
      %get3A_100 = tpu.vector_load %arg7[%get3A_98, %get3A_99] {strides = array<i32>} : memref<79x128xi32, #tpu.memory_space<vmem>>, vector<1x16xi32>,
      %get3A_101 = vector.shape_cast %get3A_100 : vector<1x16xi32> to vector<16xi32>
      %shift_right_logical3A_102 = arith.constant 16 : i32
      %shift_right_logical3A_103 = vector.broadcast %shift_right_logical3A_102 : i32 to vector<16xi32>
      %shift_right_logical3A_104 = arith.shrui %get3A_101, %shift_right_logical3A_103 : vector<16xi32>
      %swap3A_105 = arith.index_cast %scan3A_21 : i32 to index
      %swap3A_106 = arith.constant 64 : index
      %swap3A_107 = tpu.vector_load %arg8[%swap3A_105, %swap3A_106] {strides = array<i32>} : memref<79x128xi32, #tpu.memory_space<vmem>>, vector<1x16xi32>,
      %swap3A_108 = vector.shape_cast %swap3A_107 : vector<1x16xi32> to vector<16xi32>
      %swap3A_109 = vector.shape_cast %shift_right_logical3A_104 : vector<16xi32> to vector<1x16xi32>
      tpu.vector_store %arg8[%swap3A_105, %swap3A_106], %swap3A_109 {strides = array<i32>} : memref<79x128xi32, #tpu.memory_space<vmem>>, vector<1x16xi32>,
      %and3A_110 = arith.constant 65535 : i32
      %and3A_111 = vector.broadcast %and3A_110 : i32 to vector<16xi32>
      %and3A_112 = arith.andi %get3A_101, %and3A_111 : vector<16xi32>
      %swap3A_113 = arith.index_cast %scan3A_21 : i32 to index
      %swap3A_114 = arith.constant 64 : index
      %swap3A_115 = tpu.vector_load %arg9[%swap3A_113, %swap3A_114] {strides = array<i32>} : memref<79x128xi32, #tpu.memory_space<vmem>>, vector<1x16xi32>,
      %swap3A_116 = vector.shape_cast %swap3A_115 : vector<1x16xi32> to vector<16xi32>
      %swap3A_117 = vector.shape_cast %and3A_112 : vector<16xi32> to vector<1x16xi32>
      tpu.vector_store %arg9[%swap3A_113, %swap3A_114], %swap3A_117 {strides = array<i32>} : memref<79x128xi32, #tpu.memory_space<vmem>>, vector<1x16xi32>,
      %get3A_118 = arith.index_cast %scan3A_21 : i32 to index
      %get3A_119 = arith.constant 80 : index
      %get3A_120 = tpu.vector_load %arg7[%get3A_118, %get3A_119] {strides = array<i32>} : memref<79x128xi32, #tpu.memory_space<vmem>>, vector<1x16xi32>,
      %get3A_121 = vector.shape_cast %get3A_120 : vector<1x16xi32> to vector<16xi32>
      %shift_right_logical3A_122 = arith.constant 16 : i32
      %shift_right_logical3A_123 = vector.broadcast %shift_right_logical3A_122 : i32 to vector<16xi32>
      %shift_right_logical3A_124 = arith.shrui %get3A_121, %shift_right_logical3A_123 : vector<16xi32>
      %swap3A_125 = arith.index_cast %scan3A_21 : i32 to index
      %swap3A_126 = arith.constant 80 : index
      %swap3A_127 = tpu.vector_load %arg8[%swap3A_125, %swap3A_126] {strides = array<i32>} : memref<79x128xi32, #tpu.memory_space<vmem>>, vector<1x16xi32>,
      %swap3A_128 = vector.shape_cast %swap3A_127 : vector<1x16xi32> to vector<16xi32>
      %swap3A_129 = vector.shape_cast %shift_right_logical3A_124 : vector<16xi32> to vector<1x16xi32>
      tpu.vector_store %arg8[%swap3A_125, %swap3A_126], %swap3A_129 {strides = array<i32>} : memref<79x128xi32, #tpu.memory_space<vmem>>, vector<1x16xi32>,
      %and3A_130 = arith.constant 65535 : i32
      %and3A_131 = vector.broadcast %and3A_130 : i32 to vector<16xi32>
      %and3A_132 = arith.andi %get3A_121, %and3A_131 : vector<16xi32>
      %swap3A_133 = arith.index_cast %scan3A_21 : i32 to index
      %swap3A_134 = arith.constant 80 : index
      %swap3A_135 = tpu.vector_load %arg9[%swap3A_133, %swap3A_134] {strides = array<i32>} : memref<79x128xi32, #tpu.memory_space<vmem>>, vector<1x16xi32>,
      %swap3A_136 = vector.shape_cast %swap3A_135 : vector<1x16xi32> to vector<16xi32>
      %swap3A_137 = vector.shape_cast %and3A_132 : vector<16xi32> to vector<1x16xi32>
      tpu.vector_store %arg9[%swap3A_133, %swap3A_134], %swap3A_137 {strides = array<i32>} : memref<79x128xi32, #tpu.memory_space<vmem>>, vector<1x16xi32>,
      %get3A_138 = arith.index_cast %scan3A_21 : i32 to index
      %get3A_139 = arith.constant 96 : index
      %get3A_140 = tpu.vector_load %arg7[%get3A_138, %get3A_139] {strides = array<i32>} : memref<79x128xi32, #tpu.memory_space<vmem>>, vector<1x16xi32>,
      %get3A_141 = vector.shape_cast %get3A_140 : vector<1x16xi32> to vector<16xi32>
      %shift_right_logical3A_142 = arith.constant 16 : i32
      %shift_right_logical3A_143 = vector.broadcast %shift_right_logical3A_142 : i32 to vector<16xi32>
      %shift_right_logical3A_144 = arith.shrui %get3A_141, %shift_right_logical3A_143 : vector<16xi32>
      %swap3A_145 = arith.index_cast %scan3A_21 : i32 to index
      %swap3A_146 = arith.constant 96 : index
      %swap3A_147 = tpu.vector_load %arg8[%swap3A_145, %swap3A_146] {strides = array<i32>} : memref<79x128xi32, #tpu.memory_space<vmem>>, vector<1x16xi32>,
      %swap3A_148 = vector.shape_cast %swap3A_147 : vector<1x16xi32> to vector<16xi32>
      %swap3A_149 = vector.shape_cast %shift_right_logical3A_144 : vector<16xi32> to vector<1x16xi32>
      tpu.vector_store %arg8[%swap3A_145, %swap3A_146], %swap3A_149 {strides = array<i32>} : memref<79x128xi32, #tpu.memory_space<vmem>>, vector<1x16xi32>,
      %and3A_150 = arith.constant 65535 : i32
      %and3A_151 = vector.broadcast %and3A_150 : i32 to vector<16xi32>
      %and3A_152 = arith.andi %get3A_141, %and3A_151 : vector<16xi32>
      %swap3A_153 = arith.index_cast %scan3A_21 : i32 to index
      %swap3A_154 = arith.constant 96 : index
      %swap3A_155 = tpu.vector_load %arg9[%swap3A_153, %swap3A_154] {strides = array<i32>} : memref<79x128xi32, #tpu.memory_space<vmem>>, vector<1x16xi32>,
      %swap3A_156 = vector.shape_cast %swap3A_155 : vector<1x16xi32> to vector<16xi32>
      %swap3A_157 = vector.shape_cast %and3A_152 : vector<16xi32> to vector<1x16xi32>
      tpu.vector_store %arg9[%swap3A_153, %swap3A_154], %swap3A_157 {strides = array<i32>} : memref<79x128xi32, #tpu.memory_space<vmem>>, vector<1x16xi32>,
      %get3A_158 = arith.index_cast %scan3A_21 : i32 to index
      %get3A_159 = arith.constant 112 : index
      %get3A_160 = tpu.vector_load %arg7[%get3A_158, %get3A_159] {strides = array<i32>} : memref<79x128xi32, #tpu.memory_space<vmem>>, vector<1x16xi32>,
      %get3A_161 = vector.shape_cast %get3A_160 : vector<1x16xi32> to vector<16xi32>
      %shift_right_logical3A_162 = arith.constant 16 : i32
      %shift_right_logical3A_163 = vector.broadcast %shift_right_logical3A_162 : i32 to vector<16xi32>
      %shift_right_logical3A_164 = arith.shrui %get3A_161, %shift_right_logical3A_163 : vector<16xi32>
      %swap3A_165 = arith.index_cast %scan3A_21 : i32 to index
      %swap3A_166 = arith.constant 112 : index
      %swap3A_167 = tpu.vector_load %arg8[%swap3A_165, %swap3A_166] {strides = array<i32>} : memref<79x128xi32, #tpu.memory_space<vmem>>, vector<1x16xi32>,
      %swap3A_168 = vector.shape_cast %swap3A_167 : vector<1x16xi32> to vector<16xi32>
      %swap3A_169 = vector.shape_cast %shift_right_logical3A_164 : vector<16xi32> to vector<1x16xi32>
      tpu.vector_store %arg8[%swap3A_165, %swap3A_166], %swap3A_169 {strides = array<i32>} : memref<79x128xi32, #tpu.memory_space<vmem>>, vector<1x16xi32>,
      %and3A_170 = arith.constant 65535 : i32
      %and3A_171 = vector.broadcast %and3A_170 : i32 to vector<16xi32>
      %and3A_172 = arith.andi %get3A_161, %and3A_171 : vector<16xi32>
      %swap3A_173 = arith.index_cast %scan3A_21 : i32 to index
      %swap3A_174 = arith.constant 112 : index
      %swap3A_175 = tpu.vector_load %arg9[%swap3A_173, %swap3A_174] {strides = array<i32>} : memref<79x128xi32, #tpu.memory_space<vmem>>, vector<1x16xi32>,
      %swap3A_176 = vector.shape_cast %swap3A_175 : vector<1x16xi32> to vector<16xi32>
      %swap3A_177 = vector.shape_cast %and3A_172 : vector<16xi32> to vector<1x16xi32>
      tpu.vector_store %arg9[%swap3A_173, %swap3A_174], %swap3A_177 {strides = array<i32>} : memref<79x128xi32, #tpu.memory_space<vmem>>, vector<1x16xi32>,
    }
    %scan3A_9 = arith.constant 79 : i32
    %barrier3A = arith.constant 0 : index
    tpu.barrier barrier_id(%barrier3A)
    %scan3A_10 = arith.constant 0 : i32
    %scan3A_11 = arith.constant 0 : i32
    %scan3A_12 = arith.constant 79 : i32
    %scan3A_13 = arith.addi %scan3A_11, %scan3A_12 : i32
    %scan3A_14 = arith.constant 1 : i32
    scf.for %scan3A_21 = %scan3A_11 to %scan3A_13 step %scan3A_14  : i32 {
      %dma_start3A = arith.constant 0 : i32
      %dma_start3A_22 = tpu.memref_slice %arg9[%scan3A_21, %dma_start3A] : memref<79x128xi32, #tpu.memory_space<vmem>> -> memref<1x128xi32, #tpu.memory_space<vmem>>
      %dma_start3A_23 = tpu.memref_squeeze %dma_start3A_22 : memref<1x128xi32, #tpu.memory_space<vmem>> -> memref<128xi32, #tpu.memory_space<vmem>>
      %dma_start3A_24 = arith.constant 0 : i32
      %dma_start3A_25 = arith.constant 0 : i32
      %dma_start3A_26 = tpu.memref_slice %arg2[%dma_start3A_24, %dma_start3A_25] : memref<10112x128xf32, #tpu.memory_space<hbm>> -> memref<10112x128xf32, #tpu.memory_space<hbm>>
      tpu.enqueue_indirect_dma source(%dma_start3A_26 : memref<10112x128xf32, #tpu.memory_space<hbm>>) target(%arg10 : memref<128x128xf32, #tpu.memory_space<vmem>>) offsets(%dma_start3A_23 : memref<128xi32, #tpu.memory_space<vmem>>) semaphore(%arg12 : memref<!tpu.dma_semaphore, #tpu.memory_space<semaphore_mem>>)
      %dma_wait3A = arith.constant 0 : i32
      %dma_wait3A_27 = tpu.memref_slice %arg9[%scan3A_21, %dma_wait3A] : memref<79x128xi32, #tpu.memory_space<vmem>> -> memref<1x128xi32, #tpu.memory_space<vmem>>
      %dma_wait3A_28 = tpu.memref_squeeze %dma_wait3A_27 : memref<1x128xi32, #tpu.memory_space<vmem>> -> memref<128xi32, #tpu.memory_space<vmem>>
      %dma_wait3A_29 = arith.constant 0 : i32
      %dma_wait3A_30 = arith.constant 0 : i32
      %dma_wait3A_31 = tpu.memref_slice %arg2[%dma_wait3A_29, %dma_wait3A_30] : memref<10112x128xf32, #tpu.memory_space<hbm>> -> memref<10112x128xf32, #tpu.memory_space<hbm>>
      tpu.wait_indirect_dma semaphore(%arg12 : memref<!tpu.dma_semaphore, #tpu.memory_space<semaphore_mem>>) src(%dma_wait3A_31 : memref<10112x128xf32, #tpu.memory_space<hbm>>) dst(%arg10 : memref<128x128xf32, #tpu.memory_space<vmem>>)
      "tpu.region"() ({
        %run_scoped3A = tpu.sem_alloc : memref<!tpu.dma_semaphore, #tpu.memory_space<semaphore_mem>>
        %dma_start3A_32 = arith.constant 0 : i32
        %dma_start3A_33 = tpu.memref_slice %arg8[%scan3A_21, %dma_start3A_32] : memref<79x128xi32, #tpu.memory_space<vmem>> -> memref<1x128xi32, #tpu.memory_space<vmem>>
        %dma_start3A_34 = tpu.memref_squeeze %dma_start3A_33 : memref<1x128xi32, #tpu.memory_space<vmem>> -> memref<128xi32, #tpu.memory_space<vmem>>
        %dma_start3A_35 = arith.constant 0 : i32
        %dma_start3A_36 = arith.constant 0 : i32
        %dma_start3A_37 = tpu.memref_slice %arg11[%dma_start3A_35, %dma_start3A_36] : memref<10112x128xf32, #tpu.memory_space<vmem_shared>> -> memref<10112x128xf32, #tpu.memory_space<vmem_shared>>
        tpu.enqueue_indirect_dma source(%arg10 : memref<128x128xf32, #tpu.memory_space<vmem>>) target(%dma_start3A_37 : memref<10112x128xf32, #tpu.memory_space<vmem_shared>>) offsets(%dma_start3A_34 : memref<128xi32, #tpu.memory_space<vmem>>) semaphore(%run_scoped3A : memref<!tpu.dma_semaphore, #tpu.memory_space<semaphore_mem>>) {add = true}
        %dma_wait3A_38 = arith.constant 0 : i32
        %dma_wait3A_39 = tpu.memref_slice %arg8[%scan3A_21, %dma_wait3A_38] : memref<79x128xi32, #tpu.memory_space<vmem>> -> memref<1x128xi32, #tpu.memory_space<vmem>>
        %dma_wait3A_40 = tpu.memref_squeeze %dma_wait3A_39 : memref<1x128xi32, #tpu.memory_space<vmem>> -> memref<128xi32, #tpu.memory_space<vmem>>
        %dma_wait3A_41 = arith.constant 0 : i32
        %dma_wait3A_42 = arith.constant 0 : i32
        %dma_wait3A_43 = tpu.memref_slice %arg11[%dma_wait3A_41, %dma_wait3A_42] : memref<10112x128xf32, #tpu.memory_space<vmem_shared>> -> memref<10112x128xf32, #tpu.memory_space<vmem_shared>>
        tpu.wait_indirect_dma semaphore(%run_scoped3A : memref<!tpu.dma_semaphore, #tpu.memory_space<semaphore_mem>>) src(%arg10 : memref<128x128xf32, #tpu.memory_space<vmem>>) dst(%dma_wait3A_43 : memref<10112x128xf32, #tpu.memory_space<vmem_shared>>)
        tpu.yield
      }) : () -> ()
    }
    %scan3A_15 = arith.constant 79 : i32
    %barrier3A_16 = arith.constant 0 : index
    tpu.barrier barrier_id(%barrier3A_16)
    %mul3A_17 = arith.constant 632 : i32
    %mul3A_18 = arith.muli %arg1, %mul3A_17 : i32
    %mul3A_19 = arith.constant 632 : i32
    %mul3A_20 = arith.muli %arg1, %mul3A_19 : i32
    "tpu.region"() ({
      %run_scoped3A = tpu.sem_alloc : memref<!tpu.dma_semaphore, #tpu.memory_space<semaphore_mem>>
      %dma_start3A = arith.constant 0 : i32
      %dma_start3A_21 = tpu.memref_slice %arg6[%arg0, %mul3A_20, %dma_start3A] : memref<2x10112x128xf32, #tpu.memory_space<hbm>> -> memref<1x632x128xf32, #tpu.memory_space<hbm>>
      %dma_start3A_22 = tpu.memref_squeeze %dma_start3A_21 : memref<1x632x128xf32, #tpu.memory_space<hbm>> -> memref<632x128xf32, #tpu.memory_space<hbm>>
      %dma_start3A_23 = arith.constant 0 : i32
      %dma_start3A_24 = tpu.memref_slice %arg11[%mul3A_18, %dma_start3A_23] : memref<10112x128xf32, #tpu.memory_space<vmem_shared>> -> memref<632x128xf32, #tpu.memory_space<vmem_shared>>
      tpu.enqueue_dma source(%dma_start3A_24 : memref<632x128xf32, #tpu.memory_space<vmem_shared>>) target(%dma_start3A_22 : memref<632x128xf32, #tpu.memory_space<hbm>>) target_semaphore(%run_scoped3A : memref<!tpu.dma_semaphore, #tpu.memory_space<semaphore_mem>>)
      %dma_wait3A = arith.constant 0 : i32
      %dma_wait3A_25 = tpu.memref_slice %arg6[%arg0, %mul3A_20, %dma_wait3A] : memref<2x10112x128xf32, #tpu.memory_space<hbm>> -> memref<1x632x128xf32, #tpu.memory_space<hbm>>
      %dma_wait3A_26 = tpu.memref_squeeze %dma_wait3A_25 : memref<1x632x128xf32, #tpu.memory_space<hbm>> -> memref<632x128xf32, #tpu.memory_space<hbm>>
      %dma_wait3A_27 = arith.constant 0 : i32
      %dma_wait3A_28 = tpu.memref_slice %arg11[%mul3A_18, %dma_wait3A_27] : memref<10112x128xf32, #tpu.memory_space<vmem_shared>> -> memref<632x128xf32, #tpu.memory_space<vmem_shared>>
      tpu.wait_dma2 semaphore(%run_scoped3A : memref<!tpu.dma_semaphore, #tpu.memory_space<semaphore_mem>>) src(%dma_wait3A_28 : memref<632x128xf32, #tpu.memory_space<vmem_shared>>) dst(%dma_wait3A_26 : memref<632x128xf32, #tpu.memory_space<hbm>>)
      tpu.yield
    }) : () -> ()
    return
  }
}

#map = affine_map<(d0, d1) -> (0, 0)>
#map1 = affine_map<(d0, d1) -> (0, 0, 0)>
module attributes {stable_mosaic.version = 14 : i64} {
  func.func @_sc_aggregate(%arg0: i32, %arg1: i32, %arg2: memref<10112x128xf32, #tpu.memory_space<hbm>>, %arg3: memref<32x79x128xi32, #tpu.memory_space<hbm>>, %arg4: memref<10112x128xf32, #tpu.memory_space<hbm>>, %arg5: memref<2x10112x128xf32, #tpu.memory_space<hbm>>, %arg6: memref<2x10112x128xf32, #tpu.memory_space<hbm>>, %arg7: memref<79x128xi32, #tpu.memory_space<vmem>>, %arg8: memref<79x128xi32, #tpu.memory_space<vmem>>, %arg9: memref<79x128xi32, #tpu.memory_space<vmem>>, %arg10: memref<128x128xf32, #tpu.memory_space<vmem>>, %arg11: memref<10112x128xf32, #tpu.memory_space<vmem_shared>>, %arg12: memref<!tpu.dma_semaphore, #tpu.memory_space<semaphore_mem>>) attributes {dimension_semantics = [#tpu.dimension_semantics<core_parallel>, #tpu.dimension_semantics<subcore_parallel>], iteration_bounds = array<i64: 2, 16>, scalar_prefetch = 0 : i64, scratch_operands = 6 : i64, tpu.core_type = #tpu.core_type<sc_vector_subcore>, window_params = [{transform_indices = #map}, {transform_indices = #map1}, {transform_indices = #map}, {transform_indices = #map1}, {transform_indices = #map1}]} {
    %mul3A = arith.constant 16 : i32
    %mul3A_0 = arith.muli %arg0, %mul3A : i32
    %add3A = arith.addi %mul3A_0, %arg1 : i32
    %mul3A_1 = arith.constant 632 : i32
    %mul3A_2 = arith.muli %arg1, %mul3A_1 : i32
    %mul3A_3 = arith.constant 632 : i32
    %mul3A_4 = arith.muli %arg1, %mul3A_3 : i32
    "tpu.region"() ({
      %run_scoped3A = tpu.sem_alloc : memref<!tpu.dma_semaphore, #tpu.memory_space<semaphore_mem>>
      %dma_start3A = arith.constant 0 : i32
      %dma_start3A_21 = tpu.memref_slice %arg11[%mul3A_4, %dma_start3A] : memref<10112x128xf32, #tpu.memory_space<vmem_shared>> -> memref<632x128xf32, #tpu.memory_space<vmem_shared>>
      %dma_start3A_22 = arith.constant 0 : i32
      %dma_start3A_23 = tpu.memref_slice %arg4[%mul3A_2, %dma_start3A_22] : memref<10112x128xf32, #tpu.memory_space<hbm>> -> memref<632x128xf32, #tpu.memory_space<hbm>>
      tpu.enqueue_dma source(%dma_start3A_23 : memref<632x128xf32, #tpu.memory_space<hbm>>) target(%dma_start3A_21 : memref<632x128xf32, #tpu.memory_space<vmem_shared>>) target_semaphore(%run_scoped3A : memref<!tpu.dma_semaphore, #tpu.memory_space<semaphore_mem>>)
      %dma_wait3A = arith.constant 0 : i32
      %dma_wait3A_24 = tpu.memref_slice %arg11[%mul3A_4, %dma_wait3A] : memref<10112x128xf32, #tpu.memory_space<vmem_shared>> -> memref<632x128xf32, #tpu.memory_space<vmem_shared>>
      %dma_wait3A_25 = arith.constant 0 : i32
      %dma_wait3A_26 = tpu.memref_slice %arg4[%mul3A_2, %dma_wait3A_25] : memref<10112x128xf32, #tpu.memory_space<hbm>> -> memref<632x128xf32, #tpu.memory_space<hbm>>
      tpu.wait_dma2 semaphore(%run_scoped3A : memref<!tpu.dma_semaphore, #tpu.memory_space<semaphore_mem>>) src(%dma_wait3A_26 : memref<632x128xf32, #tpu.memory_space<hbm>>) dst(%dma_wait3A_24 : memref<632x128xf32, #tpu.memory_space<vmem_shared>>)
      tpu.yield
    }) : () -> ()
    "tpu.region"() ({
      %run_scoped3A = tpu.sem_alloc : memref<!tpu.dma_semaphore, #tpu.memory_space<semaphore_mem>>
      %dma_start3A = arith.constant 0 : i32
      %dma_start3A_21 = arith.constant 0 : i32
      %dma_start3A_22 = tpu.memref_slice %arg3[%add3A, %dma_start3A, %dma_start3A_21] : memref<32x79x128xi32, #tpu.memory_space<hbm>> -> memref<1x79x128xi32, #tpu.memory_space<hbm>>
      %dma_start3A_23 = tpu.memref_squeeze %dma_start3A_22 : memref<1x79x128xi32, #tpu.memory_space<hbm>> -> memref<79x128xi32, #tpu.memory_space<hbm>>
      %dma_start3A_24 = arith.constant 0 : i32
      %dma_start3A_25 = arith.constant 0 : i32
      %dma_start3A_26 = tpu.memref_slice %arg3[%add3A, %dma_start3A_24, %dma_start3A_25] : memref<32x79x128xi32, #tpu.memory_space<hbm>> -> memref<1x79x128xi32, #tpu.memory_space<hbm>>
      %dma_start3A_27 = tpu.memref_squeeze %dma_start3A_26 : memref<1x79x128xi32, #tpu.memory_space<hbm>> -> memref<79x128xi32, #tpu.memory_space<hbm>>
      tpu.enqueue_dma source(%dma_start3A_27 : memref<79x128xi32, #tpu.memory_space<hbm>>) target(%arg7 : memref<79x128xi32, #tpu.memory_space<vmem>>) target_semaphore(%run_scoped3A : memref<!tpu.dma_semaphore, #tpu.memory_space<semaphore_mem>>)
      %dma_wait3A = arith.constant 0 : i32
      %dma_wait3A_28 = arith.constant 0 : i32
      %dma_wait3A_29 = tpu.memref_slice %arg3[%add3A, %dma_wait3A, %dma_wait3A_28] : memref<32x79x128xi32, #tpu.memory_space<hbm>> -> memref<1x79x128xi32, #tpu.memory_space<hbm>>
      %dma_wait3A_30 = tpu.memref_squeeze %dma_wait3A_29 : memref<1x79x128xi32, #tpu.memory_space<hbm>> -> memref<79x128xi32, #tpu.memory_space<hbm>>
      %dma_wait3A_31 = arith.constant 0 : i32
      %dma_wait3A_32 = arith.constant 0 : i32
      %dma_wait3A_33 = tpu.memref_slice %arg3[%add3A, %dma_wait3A_31, %dma_wait3A_32] : memref<32x79x128xi32, #tpu.memory_space<hbm>> -> memref<1x79x128xi32, #tpu.memory_space<hbm>>
      %dma_wait3A_34 = tpu.memref_squeeze %dma_wait3A_33 : memref<1x79x128xi32, #tpu.memory_space<hbm>> -> memref<79x128xi32, #tpu.memory_space<hbm>>
      tpu.wait_dma2 semaphore(%run_scoped3A : memref<!tpu.dma_semaphore, #tpu.memory_space<semaphore_mem>>) src(%dma_wait3A_34 : memref<79x128xi32, #tpu.memory_space<hbm>>) dst(%arg7 : memref<79x128xi32, #tpu.memory_space<vmem>>)
      tpu.yield
    }) : () -> ()
    %scan3A = arith.constant 0 : i32
    %scan3A_5 = arith.constant 0 : i32
    %scan3A_6 = arith.constant 79 : i32
    %scan3A_7 = arith.addi %scan3A_5, %scan3A_6 : i32
    %scan3A_8 = arith.constant 1 : i32
    scf.for %scan3A_21 = %scan3A_5 to %scan3A_7 step %scan3A_8  : i32 {
      %get3A = arith.index_cast %scan3A_21 : i32 to index
      %get3A_22 = arith.constant 0 : index
      %get3A_23 = tpu.vector_load %arg7[%get3A, %get3A_22] {strides = array<i32>} : memref<79x128xi32, #tpu.memory_space<vmem>>, vector<1x16xi32>,
      %get3A_24 = vector.shape_cast %get3A_23 : vector<1x16xi32> to vector<16xi32>
      %shift_right_logical3A = arith.constant 16 : i32
      %shift_right_logical3A_25 = vector.broadcast %shift_right_logical3A : i32 to vector<16xi32>
      %shift_right_logical3A_26 = arith.shrui %get3A_24, %shift_right_logical3A_25 : vector<16xi32>
      %swap3A = arith.index_cast %scan3A_21 : i32 to index
      %swap3A_27 = arith.constant 0 : index
      %swap3A_28 = tpu.vector_load %arg8[%swap3A, %swap3A_27] {strides = array<i32>} : memref<79x128xi32, #tpu.memory_space<vmem>>, vector<1x16xi32>,
      %swap3A_29 = vector.shape_cast %swap3A_28 : vector<1x16xi32> to vector<16xi32>
      %swap3A_30 = vector.shape_cast %shift_right_logical3A_26 : vector<16xi32> to vector<1x16xi32>
      tpu.vector_store %arg8[%swap3A, %swap3A_27], %swap3A_30 {strides = array<i32>} : memref<79x128xi32, #tpu.memory_space<vmem>>, vector<1x16xi32>,
      %and3A = arith.constant 65535 : i32
      %and3A_31 = vector.broadcast %and3A : i32 to vector<16xi32>
      %and3A_32 = arith.andi %get3A_24, %and3A_31 : vector<16xi32>
      %swap3A_33 = arith.index_cast %scan3A_21 : i32 to index
      %swap3A_34 = arith.constant 0 : index
      %swap3A_35 = tpu.vector_load %arg9[%swap3A_33, %swap3A_34] {strides = array<i32>} : memref<79x128xi32, #tpu.memory_space<vmem>>, vector<1x16xi32>,
      %swap3A_36 = vector.shape_cast %swap3A_35 : vector<1x16xi32> to vector<16xi32>
      %swap3A_37 = vector.shape_cast %and3A_32 : vector<16xi32> to vector<1x16xi32>
      tpu.vector_store %arg9[%swap3A_33, %swap3A_34], %swap3A_37 {strides = array<i32>} : memref<79x128xi32, #tpu.memory_space<vmem>>, vector<1x16xi32>,
      %get3A_38 = arith.index_cast %scan3A_21 : i32 to index
      %get3A_39 = arith.constant 16 : index
      %get3A_40 = tpu.vector_load %arg7[%get3A_38, %get3A_39] {strides = array<i32>} : memref<79x128xi32, #tpu.memory_space<vmem>>, vector<1x16xi32>,
      %get3A_41 = vector.shape_cast %get3A_40 : vector<1x16xi32> to vector<16xi32>
      %shift_right_logical3A_42 = arith.constant 16 : i32
      %shift_right_logical3A_43 = vector.broadcast %shift_right_logical3A_42 : i32 to vector<16xi32>
      %shift_right_logical3A_44 = arith.shrui %get3A_41, %shift_right_logical3A_43 : vector<16xi32>
      %swap3A_45 = arith.index_cast %scan3A_21 : i32 to index
      %swap3A_46 = arith.constant 16 : index
      %swap3A_47 = tpu.vector_load %arg8[%swap3A_45, %swap3A_46] {strides = array<i32>} : memref<79x128xi32, #tpu.memory_space<vmem>>, vector<1x16xi32>,
      %swap3A_48 = vector.shape_cast %swap3A_47 : vector<1x16xi32> to vector<16xi32>
      %swap3A_49 = vector.shape_cast %shift_right_logical3A_44 : vector<16xi32> to vector<1x16xi32>
      tpu.vector_store %arg8[%swap3A_45, %swap3A_46], %swap3A_49 {strides = array<i32>} : memref<79x128xi32, #tpu.memory_space<vmem>>, vector<1x16xi32>,
      %and3A_50 = arith.constant 65535 : i32
      %and3A_51 = vector.broadcast %and3A_50 : i32 to vector<16xi32>
      %and3A_52 = arith.andi %get3A_41, %and3A_51 : vector<16xi32>
      %swap3A_53 = arith.index_cast %scan3A_21 : i32 to index
      %swap3A_54 = arith.constant 16 : index
      %swap3A_55 = tpu.vector_load %arg9[%swap3A_53, %swap3A_54] {strides = array<i32>} : memref<79x128xi32, #tpu.memory_space<vmem>>, vector<1x16xi32>,
      %swap3A_56 = vector.shape_cast %swap3A_55 : vector<1x16xi32> to vector<16xi32>
      %swap3A_57 = vector.shape_cast %and3A_52 : vector<16xi32> to vector<1x16xi32>
      tpu.vector_store %arg9[%swap3A_53, %swap3A_54], %swap3A_57 {strides = array<i32>} : memref<79x128xi32, #tpu.memory_space<vmem>>, vector<1x16xi32>,
      %get3A_58 = arith.index_cast %scan3A_21 : i32 to index
      %get3A_59 = arith.constant 32 : index
      %get3A_60 = tpu.vector_load %arg7[%get3A_58, %get3A_59] {strides = array<i32>} : memref<79x128xi32, #tpu.memory_space<vmem>>, vector<1x16xi32>,
      %get3A_61 = vector.shape_cast %get3A_60 : vector<1x16xi32> to vector<16xi32>
      %shift_right_logical3A_62 = arith.constant 16 : i32
      %shift_right_logical3A_63 = vector.broadcast %shift_right_logical3A_62 : i32 to vector<16xi32>
      %shift_right_logical3A_64 = arith.shrui %get3A_61, %shift_right_logical3A_63 : vector<16xi32>
      %swap3A_65 = arith.index_cast %scan3A_21 : i32 to index
      %swap3A_66 = arith.constant 32 : index
      %swap3A_67 = tpu.vector_load %arg8[%swap3A_65, %swap3A_66] {strides = array<i32>} : memref<79x128xi32, #tpu.memory_space<vmem>>, vector<1x16xi32>,
      %swap3A_68 = vector.shape_cast %swap3A_67 : vector<1x16xi32> to vector<16xi32>
      %swap3A_69 = vector.shape_cast %shift_right_logical3A_64 : vector<16xi32> to vector<1x16xi32>
      tpu.vector_store %arg8[%swap3A_65, %swap3A_66], %swap3A_69 {strides = array<i32>} : memref<79x128xi32, #tpu.memory_space<vmem>>, vector<1x16xi32>,
      %and3A_70 = arith.constant 65535 : i32
      %and3A_71 = vector.broadcast %and3A_70 : i32 to vector<16xi32>
      %and3A_72 = arith.andi %get3A_61, %and3A_71 : vector<16xi32>
      %swap3A_73 = arith.index_cast %scan3A_21 : i32 to index
      %swap3A_74 = arith.constant 32 : index
      %swap3A_75 = tpu.vector_load %arg9[%swap3A_73, %swap3A_74] {strides = array<i32>} : memref<79x128xi32, #tpu.memory_space<vmem>>, vector<1x16xi32>,
      %swap3A_76 = vector.shape_cast %swap3A_75 : vector<1x16xi32> to vector<16xi32>
      %swap3A_77 = vector.shape_cast %and3A_72 : vector<16xi32> to vector<1x16xi32>
      tpu.vector_store %arg9[%swap3A_73, %swap3A_74], %swap3A_77 {strides = array<i32>} : memref<79x128xi32, #tpu.memory_space<vmem>>, vector<1x16xi32>,
      %get3A_78 = arith.index_cast %scan3A_21 : i32 to index
      %get3A_79 = arith.constant 48 : index
      %get3A_80 = tpu.vector_load %arg7[%get3A_78, %get3A_79] {strides = array<i32>} : memref<79x128xi32, #tpu.memory_space<vmem>>, vector<1x16xi32>,
      %get3A_81 = vector.shape_cast %get3A_80 : vector<1x16xi32> to vector<16xi32>
      %shift_right_logical3A_82 = arith.constant 16 : i32
      %shift_right_logical3A_83 = vector.broadcast %shift_right_logical3A_82 : i32 to vector<16xi32>
      %shift_right_logical3A_84 = arith.shrui %get3A_81, %shift_right_logical3A_83 : vector<16xi32>
      %swap3A_85 = arith.index_cast %scan3A_21 : i32 to index
      %swap3A_86 = arith.constant 48 : index
      %swap3A_87 = tpu.vector_load %arg8[%swap3A_85, %swap3A_86] {strides = array<i32>} : memref<79x128xi32, #tpu.memory_space<vmem>>, vector<1x16xi32>,
      %swap3A_88 = vector.shape_cast %swap3A_87 : vector<1x16xi32> to vector<16xi32>
      %swap3A_89 = vector.shape_cast %shift_right_logical3A_84 : vector<16xi32> to vector<1x16xi32>
      tpu.vector_store %arg8[%swap3A_85, %swap3A_86], %swap3A_89 {strides = array<i32>} : memref<79x128xi32, #tpu.memory_space<vmem>>, vector<1x16xi32>,
      %and3A_90 = arith.constant 65535 : i32
      %and3A_91 = vector.broadcast %and3A_90 : i32 to vector<16xi32>
      %and3A_92 = arith.andi %get3A_81, %and3A_91 : vector<16xi32>
      %swap3A_93 = arith.index_cast %scan3A_21 : i32 to index
      %swap3A_94 = arith.constant 48 : index
      %swap3A_95 = tpu.vector_load %arg9[%swap3A_93, %swap3A_94] {strides = array<i32>} : memref<79x128xi32, #tpu.memory_space<vmem>>, vector<1x16xi32>,
      %swap3A_96 = vector.shape_cast %swap3A_95 : vector<1x16xi32> to vector<16xi32>
      %swap3A_97 = vector.shape_cast %and3A_92 : vector<16xi32> to vector<1x16xi32>
      tpu.vector_store %arg9[%swap3A_93, %swap3A_94], %swap3A_97 {strides = array<i32>} : memref<79x128xi32, #tpu.memory_space<vmem>>, vector<1x16xi32>,
      %get3A_98 = arith.index_cast %scan3A_21 : i32 to index
      %get3A_99 = arith.constant 64 : index
      %get3A_100 = tpu.vector_load %arg7[%get3A_98, %get3A_99] {strides = array<i32>} : memref<79x128xi32, #tpu.memory_space<vmem>>, vector<1x16xi32>,
      %get3A_101 = vector.shape_cast %get3A_100 : vector<1x16xi32> to vector<16xi32>
      %shift_right_logical3A_102 = arith.constant 16 : i32
      %shift_right_logical3A_103 = vector.broadcast %shift_right_logical3A_102 : i32 to vector<16xi32>
      %shift_right_logical3A_104 = arith.shrui %get3A_101, %shift_right_logical3A_103 : vector<16xi32>
      %swap3A_105 = arith.index_cast %scan3A_21 : i32 to index
      %swap3A_106 = arith.constant 64 : index
      %swap3A_107 = tpu.vector_load %arg8[%swap3A_105, %swap3A_106] {strides = array<i32>} : memref<79x128xi32, #tpu.memory_space<vmem>>, vector<1x16xi32>,
      %swap3A_108 = vector.shape_cast %swap3A_107 : vector<1x16xi32> to vector<16xi32>
      %swap3A_109 = vector.shape_cast %shift_right_logical3A_104 : vector<16xi32> to vector<1x16xi32>
      tpu.vector_store %arg8[%swap3A_105, %swap3A_106], %swap3A_109 {strides = array<i32>} : memref<79x128xi32, #tpu.memory_space<vmem>>, vector<1x16xi32>,
      %and3A_110 = arith.constant 65535 : i32
      %and3A_111 = vector.broadcast %and3A_110 : i32 to vector<16xi32>
      %and3A_112 = arith.andi %get3A_101, %and3A_111 : vector<16xi32>
      %swap3A_113 = arith.index_cast %scan3A_21 : i32 to index
      %swap3A_114 = arith.constant 64 : index
      %swap3A_115 = tpu.vector_load %arg9[%swap3A_113, %swap3A_114] {strides = array<i32>} : memref<79x128xi32, #tpu.memory_space<vmem>>, vector<1x16xi32>,
      %swap3A_116 = vector.shape_cast %swap3A_115 : vector<1x16xi32> to vector<16xi32>
      %swap3A_117 = vector.shape_cast %and3A_112 : vector<16xi32> to vector<1x16xi32>
      tpu.vector_store %arg9[%swap3A_113, %swap3A_114], %swap3A_117 {strides = array<i32>} : memref<79x128xi32, #tpu.memory_space<vmem>>, vector<1x16xi32>,
      %get3A_118 = arith.index_cast %scan3A_21 : i32 to index
      %get3A_119 = arith.constant 80 : index
      %get3A_120 = tpu.vector_load %arg7[%get3A_118, %get3A_119] {strides = array<i32>} : memref<79x128xi32, #tpu.memory_space<vmem>>, vector<1x16xi32>,
      %get3A_121 = vector.shape_cast %get3A_120 : vector<1x16xi32> to vector<16xi32>
      %shift_right_logical3A_122 = arith.constant 16 : i32
      %shift_right_logical3A_123 = vector.broadcast %shift_right_logical3A_122 : i32 to vector<16xi32>
      %shift_right_logical3A_124 = arith.shrui %get3A_121, %shift_right_logical3A_123 : vector<16xi32>
      %swap3A_125 = arith.index_cast %scan3A_21 : i32 to index
      %swap3A_126 = arith.constant 80 : index
      %swap3A_127 = tpu.vector_load %arg8[%swap3A_125, %swap3A_126] {strides = array<i32>} : memref<79x128xi32, #tpu.memory_space<vmem>>, vector<1x16xi32>,
      %swap3A_128 = vector.shape_cast %swap3A_127 : vector<1x16xi32> to vector<16xi32>
      %swap3A_129 = vector.shape_cast %shift_right_logical3A_124 : vector<16xi32> to vector<1x16xi32>
      tpu.vector_store %arg8[%swap3A_125, %swap3A_126], %swap3A_129 {strides = array<i32>} : memref<79x128xi32, #tpu.memory_space<vmem>>, vector<1x16xi32>,
      %and3A_130 = arith.constant 65535 : i32
      %and3A_131 = vector.broadcast %and3A_130 : i32 to vector<16xi32>
      %and3A_132 = arith.andi %get3A_121, %and3A_131 : vector<16xi32>
      %swap3A_133 = arith.index_cast %scan3A_21 : i32 to index
      %swap3A_134 = arith.constant 80 : index
      %swap3A_135 = tpu.vector_load %arg9[%swap3A_133, %swap3A_134] {strides = array<i32>} : memref<79x128xi32, #tpu.memory_space<vmem>>, vector<1x16xi32>,
      %swap3A_136 = vector.shape_cast %swap3A_135 : vector<1x16xi32> to vector<16xi32>
      %swap3A_137 = vector.shape_cast %and3A_132 : vector<16xi32> to vector<1x16xi32>
      tpu.vector_store %arg9[%swap3A_133, %swap3A_134], %swap3A_137 {strides = array<i32>} : memref<79x128xi32, #tpu.memory_space<vmem>>, vector<1x16xi32>,
      %get3A_138 = arith.index_cast %scan3A_21 : i32 to index
      %get3A_139 = arith.constant 96 : index
      %get3A_140 = tpu.vector_load %arg7[%get3A_138, %get3A_139] {strides = array<i32>} : memref<79x128xi32, #tpu.memory_space<vmem>>, vector<1x16xi32>,
      %get3A_141 = vector.shape_cast %get3A_140 : vector<1x16xi32> to vector<16xi32>
      %shift_right_logical3A_142 = arith.constant 16 : i32
      %shift_right_logical3A_143 = vector.broadcast %shift_right_logical3A_142 : i32 to vector<16xi32>
      %shift_right_logical3A_144 = arith.shrui %get3A_141, %shift_right_logical3A_143 : vector<16xi32>
      %swap3A_145 = arith.index_cast %scan3A_21 : i32 to index
      %swap3A_146 = arith.constant 96 : index
      %swap3A_147 = tpu.vector_load %arg8[%swap3A_145, %swap3A_146] {strides = array<i32>} : memref<79x128xi32, #tpu.memory_space<vmem>>, vector<1x16xi32>,
      %swap3A_148 = vector.shape_cast %swap3A_147 : vector<1x16xi32> to vector<16xi32>
      %swap3A_149 = vector.shape_cast %shift_right_logical3A_144 : vector<16xi32> to vector<1x16xi32>
      tpu.vector_store %arg8[%swap3A_145, %swap3A_146], %swap3A_149 {strides = array<i32>} : memref<79x128xi32, #tpu.memory_space<vmem>>, vector<1x16xi32>,
      %and3A_150 = arith.constant 65535 : i32
      %and3A_151 = vector.broadcast %and3A_150 : i32 to vector<16xi32>
      %and3A_152 = arith.andi %get3A_141, %and3A_151 : vector<16xi32>
      %swap3A_153 = arith.index_cast %scan3A_21 : i32 to index
      %swap3A_154 = arith.constant 96 : index
      %swap3A_155 = tpu.vector_load %arg9[%swap3A_153, %swap3A_154] {strides = array<i32>} : memref<79x128xi32, #tpu.memory_space<vmem>>, vector<1x16xi32>,
      %swap3A_156 = vector.shape_cast %swap3A_155 : vector<1x16xi32> to vector<16xi32>
      %swap3A_157 = vector.shape_cast %and3A_152 : vector<16xi32> to vector<1x16xi32>
      tpu.vector_store %arg9[%swap3A_153, %swap3A_154], %swap3A_157 {strides = array<i32>} : memref<79x128xi32, #tpu.memory_space<vmem>>, vector<1x16xi32>,
      %get3A_158 = arith.index_cast %scan3A_21 : i32 to index
      %get3A_159 = arith.constant 112 : index
      %get3A_160 = tpu.vector_load %arg7[%get3A_158, %get3A_159] {strides = array<i32>} : memref<79x128xi32, #tpu.memory_space<vmem>>, vector<1x16xi32>,
      %get3A_161 = vector.shape_cast %get3A_160 : vector<1x16xi32> to vector<16xi32>
      %shift_right_logical3A_162 = arith.constant 16 : i32
      %shift_right_logical3A_163 = vector.broadcast %shift_right_logical3A_162 : i32 to vector<16xi32>
      %shift_right_logical3A_164 = arith.shrui %get3A_161, %shift_right_logical3A_163 : vector<16xi32>
      %swap3A_165 = arith.index_cast %scan3A_21 : i32 to index
      %swap3A_166 = arith.constant 112 : index
      %swap3A_167 = tpu.vector_load %arg8[%swap3A_165, %swap3A_166] {strides = array<i32>} : memref<79x128xi32, #tpu.memory_space<vmem>>, vector<1x16xi32>,
      %swap3A_168 = vector.shape_cast %swap3A_167 : vector<1x16xi32> to vector<16xi32>
      %swap3A_169 = vector.shape_cast %shift_right_logical3A_164 : vector<16xi32> to vector<1x16xi32>
      tpu.vector_store %arg8[%swap3A_165, %swap3A_166], %swap3A_169 {strides = array<i32>} : memref<79x128xi32, #tpu.memory_space<vmem>>, vector<1x16xi32>,
      %and3A_170 = arith.constant 65535 : i32
      %and3A_171 = vector.broadcast %and3A_170 : i32 to vector<16xi32>
      %and3A_172 = arith.andi %get3A_161, %and3A_171 : vector<16xi32>
      %swap3A_173 = arith.index_cast %scan3A_21 : i32 to index
      %swap3A_174 = arith.constant 112 : index
      %swap3A_175 = tpu.vector_load %arg9[%swap3A_173, %swap3A_174] {strides = array<i32>} : memref<79x128xi32, #tpu.memory_space<vmem>>, vector<1x16xi32>,
      %swap3A_176 = vector.shape_cast %swap3A_175 : vector<1x16xi32> to vector<16xi32>
      %swap3A_177 = vector.shape_cast %and3A_172 : vector<16xi32> to vector<1x16xi32>
      tpu.vector_store %arg9[%swap3A_173, %swap3A_174], %swap3A_177 {strides = array<i32>} : memref<79x128xi32, #tpu.memory_space<vmem>>, vector<1x16xi32>,
    }
    %scan3A_9 = arith.constant 79 : i32
    %barrier3A = arith.constant 0 : index
    tpu.barrier barrier_id(%barrier3A)
    %scan3A_10 = arith.constant 0 : i32
    %scan3A_11 = arith.constant 0 : i32
    %scan3A_12 = arith.constant 79 : i32
    %scan3A_13 = arith.addi %scan3A_11, %scan3A_12 : i32
    %scan3A_14 = arith.constant 1 : i32
    scf.for %scan3A_21 = %scan3A_11 to %scan3A_13 step %scan3A_14  : i32 {
      %dma_start3A = arith.constant 0 : i32
      %dma_start3A_22 = tpu.memref_slice %arg9[%scan3A_21, %dma_start3A] : memref<79x128xi32, #tpu.memory_space<vmem>> -> memref<1x128xi32, #tpu.memory_space<vmem>>
      %dma_start3A_23 = tpu.memref_squeeze %dma_start3A_22 : memref<1x128xi32, #tpu.memory_space<vmem>> -> memref<128xi32, #tpu.memory_space<vmem>>
      %dma_start3A_24 = arith.constant 0 : i32
      %dma_start3A_25 = arith.constant 0 : i32
      %dma_start3A_26 = tpu.memref_slice %arg2[%dma_start3A_24, %dma_start3A_25] : memref<10112x128xf32, #tpu.memory_space<hbm>> -> memref<10112x128xf32, #tpu.memory_space<hbm>>
      tpu.enqueue_indirect_dma source(%dma_start3A_26 : memref<10112x128xf32, #tpu.memory_space<hbm>>) target(%arg10 : memref<128x128xf32, #tpu.memory_space<vmem>>) offsets(%dma_start3A_23 : memref<128xi32, #tpu.memory_space<vmem>>) semaphore(%arg12 : memref<!tpu.dma_semaphore, #tpu.memory_space<semaphore_mem>>)
      %dma_wait3A = arith.constant 0 : i32
      %dma_wait3A_27 = tpu.memref_slice %arg9[%scan3A_21, %dma_wait3A] : memref<79x128xi32, #tpu.memory_space<vmem>> -> memref<1x128xi32, #tpu.memory_space<vmem>>
      %dma_wait3A_28 = tpu.memref_squeeze %dma_wait3A_27 : memref<1x128xi32, #tpu.memory_space<vmem>> -> memref<128xi32, #tpu.memory_space<vmem>>
      %dma_wait3A_29 = arith.constant 0 : i32
      %dma_wait3A_30 = arith.constant 0 : i32
      %dma_wait3A_31 = tpu.memref_slice %arg2[%dma_wait3A_29, %dma_wait3A_30] : memref<10112x128xf32, #tpu.memory_space<hbm>> -> memref<10112x128xf32, #tpu.memory_space<hbm>>
      tpu.wait_indirect_dma semaphore(%arg12 : memref<!tpu.dma_semaphore, #tpu.memory_space<semaphore_mem>>) src(%dma_wait3A_31 : memref<10112x128xf32, #tpu.memory_space<hbm>>) dst(%arg10 : memref<128x128xf32, #tpu.memory_space<vmem>>)
      "tpu.region"() ({
        %run_scoped3A = tpu.sem_alloc : memref<!tpu.dma_semaphore, #tpu.memory_space<semaphore_mem>>
        %dma_start3A_32 = arith.constant 0 : i32
        %dma_start3A_33 = tpu.memref_slice %arg8[%scan3A_21, %dma_start3A_32] : memref<79x128xi32, #tpu.memory_space<vmem>> -> memref<1x128xi32, #tpu.memory_space<vmem>>
        %dma_start3A_34 = tpu.memref_squeeze %dma_start3A_33 : memref<1x128xi32, #tpu.memory_space<vmem>> -> memref<128xi32, #tpu.memory_space<vmem>>
        %dma_start3A_35 = arith.constant 0 : i32
        %dma_start3A_36 = arith.constant 0 : i32
        %dma_start3A_37 = tpu.memref_slice %arg11[%dma_start3A_35, %dma_start3A_36] : memref<10112x128xf32, #tpu.memory_space<vmem_shared>> -> memref<10112x128xf32, #tpu.memory_space<vmem_shared>>
        tpu.enqueue_indirect_dma source(%arg10 : memref<128x128xf32, #tpu.memory_space<vmem>>) target(%dma_start3A_37 : memref<10112x128xf32, #tpu.memory_space<vmem_shared>>) offsets(%dma_start3A_34 : memref<128xi32, #tpu.memory_space<vmem>>) semaphore(%run_scoped3A : memref<!tpu.dma_semaphore, #tpu.memory_space<semaphore_mem>>) {add = true}
        %dma_wait3A_38 = arith.constant 0 : i32
        %dma_wait3A_39 = tpu.memref_slice %arg8[%scan3A_21, %dma_wait3A_38] : memref<79x128xi32, #tpu.memory_space<vmem>> -> memref<1x128xi32, #tpu.memory_space<vmem>>
        %dma_wait3A_40 = tpu.memref_squeeze %dma_wait3A_39 : memref<1x128xi32, #tpu.memory_space<vmem>> -> memref<128xi32, #tpu.memory_space<vmem>>
        %dma_wait3A_41 = arith.constant 0 : i32
        %dma_wait3A_42 = arith.constant 0 : i32
        %dma_wait3A_43 = tpu.memref_slice %arg11[%dma_wait3A_41, %dma_wait3A_42] : memref<10112x128xf32, #tpu.memory_space<vmem_shared>> -> memref<10112x128xf32, #tpu.memory_space<vmem_shared>>
        tpu.wait_indirect_dma semaphore(%run_scoped3A : memref<!tpu.dma_semaphore, #tpu.memory_space<semaphore_mem>>) src(%arg10 : memref<128x128xf32, #tpu.memory_space<vmem>>) dst(%dma_wait3A_43 : memref<10112x128xf32, #tpu.memory_space<vmem_shared>>)
        tpu.yield
      }) : () -> ()
    }
    %scan3A_15 = arith.constant 79 : i32
    %barrier3A_16 = arith.constant 0 : index
    tpu.barrier barrier_id(%barrier3A_16)
    %mul3A_17 = arith.constant 632 : i32
    %mul3A_18 = arith.muli %arg1, %mul3A_17 : i32
    %mul3A_19 = arith.constant 632 : i32
    %mul3A_20 = arith.muli %arg1, %mul3A_19 : i32
    "tpu.region"() ({
      %run_scoped3A = tpu.sem_alloc : memref<!tpu.dma_semaphore, #tpu.memory_space<semaphore_mem>>
      %dma_start3A = arith.constant 0 : i32
      %dma_start3A_21 = tpu.memref_slice %arg6[%arg0, %mul3A_20, %dma_start3A] : memref<2x10112x128xf32, #tpu.memory_space<hbm>> -> memref<1x632x128xf32, #tpu.memory_space<hbm>>
      %dma_start3A_22 = tpu.memref_squeeze %dma_start3A_21 : memref<1x632x128xf32, #tpu.memory_space<hbm>> -> memref<632x128xf32, #tpu.memory_space<hbm>>
      %dma_start3A_23 = arith.constant 0 : i32
      %dma_start3A_24 = tpu.memref_slice %arg11[%mul3A_18, %dma_start3A_23] : memref<10112x128xf32, #tpu.memory_space<vmem_shared>> -> memref<632x128xf32, #tpu.memory_space<vmem_shared>>
      tpu.enqueue_dma source(%dma_start3A_24 : memref<632x128xf32, #tpu.memory_space<vmem_shared>>) target(%dma_start3A_22 : memref<632x128xf32, #tpu.memory_space<hbm>>) target_semaphore(%run_scoped3A : memref<!tpu.dma_semaphore, #tpu.memory_space<semaphore_mem>>)
      %dma_wait3A = arith.constant 0 : i32
      %dma_wait3A_25 = tpu.memref_slice %arg6[%arg0, %mul3A_20, %dma_wait3A] : memref<2x10112x128xf32, #tpu.memory_space<hbm>> -> memref<1x632x128xf32, #tpu.memory_space<hbm>>
      %dma_wait3A_26 = tpu.memref_squeeze %dma_wait3A_25 : memref<1x632x128xf32, #tpu.memory_space<hbm>> -> memref<632x128xf32, #tpu.memory_space<hbm>>
      %dma_wait3A_27 = arith.constant 0 : i32
      %dma_wait3A_28 = tpu.memref_slice %arg11[%mul3A_18, %dma_wait3A_27] : memref<10112x128xf32, #tpu.memory_space<vmem_shared>> -> memref<632x128xf32, #tpu.memory_space<vmem_shared>>
      tpu.wait_dma2 semaphore(%run_scoped3A : memref<!tpu.dma_semaphore, #tpu.memory_space<semaphore_mem>>) src(%dma_wait3A_28 : memref<632x128xf32, #tpu.memory_space<vmem_shared>>) dst(%dma_wait3A_26 : memref<632x128xf32, #tpu.memory_space<hbm>>)
      tpu.yield
    }) : () -> ()
    return
  }
}

#map = affine_map<(d0, d1) -> (0, 0, 0)>
#map1 = affine_map<(d0, d1) -> (0, 0)>
module attributes {stable_mosaic.version = 14 : i64} {
  func.func @_sc_degree(%arg0: i32, %arg1: i32, %arg2: memref<32x79x128xi32, #tpu.memory_space<hbm>>, %arg3: memref<10112x128xf32, #tpu.memory_space<hbm>>, %arg4: memref<2x10112x128xf32, #tpu.memory_space<hbm>>, %arg5: memref<79x128xi32, #tpu.memory_space<vmem>>, %arg6: memref<79x128xi32, #tpu.memory_space<vmem>>, %arg7: memref<128x128xf32, #tpu.memory_space<vmem>>, %arg8: memref<10112x128xf32, #tpu.memory_space<vmem_shared>>) attributes {dimension_semantics = [#tpu.dimension_semantics<core_parallel>, #tpu.dimension_semantics<subcore_parallel>], iteration_bounds = array<i64: 2, 16>, scalar_prefetch = 0 : i64, scratch_operands = 4 : i64, tpu.core_type = #tpu.core_type<sc_vector_subcore>, window_params = [{transform_indices = #map}, {transform_indices = #map1}, {transform_indices = #map}]} {
    %mul3A = arith.constant 16 : i32
    %mul3A_0 = arith.muli %arg0, %mul3A : i32
    %add3A = arith.addi %mul3A_0, %arg1 : i32
    %mul3A_1 = arith.constant 632 : i32
    %mul3A_2 = arith.muli %arg1, %mul3A_1 : i32
    %mul3A_3 = arith.constant 632 : i32
    %mul3A_4 = arith.muli %arg1, %mul3A_3 : i32
    "tpu.region"() ({
      %run_scoped3A = tpu.sem_alloc : memref<!tpu.dma_semaphore, #tpu.memory_space<semaphore_mem>>
      %dma_start3A = arith.constant 0 : i32
      %dma_start3A_33 = tpu.memref_slice %arg8[%mul3A_4, %dma_start3A] : memref<10112x128xf32, #tpu.memory_space<vmem_shared>> -> memref<632x128xf32, #tpu.memory_space<vmem_shared>>
      %dma_start3A_34 = arith.constant 0 : i32
      %dma_start3A_35 = tpu.memref_slice %arg3[%mul3A_2, %dma_start3A_34] : memref<10112x128xf32, #tpu.memory_space<hbm>> -> memref<632x128xf32, #tpu.memory_space<hbm>>
      tpu.enqueue_dma source(%dma_start3A_35 : memref<632x128xf32, #tpu.memory_space<hbm>>) target(%dma_start3A_33 : memref<632x128xf32, #tpu.memory_space<vmem_shared>>) target_semaphore(%run_scoped3A : memref<!tpu.dma_semaphore, #tpu.memory_space<semaphore_mem>>)
      %dma_wait3A = arith.constant 0 : i32
      %dma_wait3A_36 = tpu.memref_slice %arg8[%mul3A_4, %dma_wait3A] : memref<10112x128xf32, #tpu.memory_space<vmem_shared>> -> memref<632x128xf32, #tpu.memory_space<vmem_shared>>
      %dma_wait3A_37 = arith.constant 0 : i32
      %dma_wait3A_38 = tpu.memref_slice %arg3[%mul3A_2, %dma_wait3A_37] : memref<10112x128xf32, #tpu.memory_space<hbm>> -> memref<632x128xf32, #tpu.memory_space<hbm>>
      tpu.wait_dma2 semaphore(%run_scoped3A : memref<!tpu.dma_semaphore, #tpu.memory_space<semaphore_mem>>) src(%dma_wait3A_38 : memref<632x128xf32, #tpu.memory_space<hbm>>) dst(%dma_wait3A_36 : memref<632x128xf32, #tpu.memory_space<vmem_shared>>)
      tpu.yield
    }) : () -> ()
    "tpu.region"() ({
      %run_scoped3A = tpu.sem_alloc : memref<!tpu.dma_semaphore, #tpu.memory_space<semaphore_mem>>
      %dma_start3A = arith.constant 0 : i32
      %dma_start3A_33 = arith.constant 0 : i32
      %dma_start3A_34 = tpu.memref_slice %arg2[%add3A, %dma_start3A, %dma_start3A_33] : memref<32x79x128xi32, #tpu.memory_space<hbm>> -> memref<1x79x128xi32, #tpu.memory_space<hbm>>
      %dma_start3A_35 = tpu.memref_squeeze %dma_start3A_34 : memref<1x79x128xi32, #tpu.memory_space<hbm>> -> memref<79x128xi32, #tpu.memory_space<hbm>>
      %dma_start3A_36 = arith.constant 0 : i32
      %dma_start3A_37 = arith.constant 0 : i32
      %dma_start3A_38 = tpu.memref_slice %arg2[%add3A, %dma_start3A_36, %dma_start3A_37] : memref<32x79x128xi32, #tpu.memory_space<hbm>> -> memref<1x79x128xi32, #tpu.memory_space<hbm>>
      %dma_start3A_39 = tpu.memref_squeeze %dma_start3A_38 : memref<1x79x128xi32, #tpu.memory_space<hbm>> -> memref<79x128xi32, #tpu.memory_space<hbm>>
      tpu.enqueue_dma source(%dma_start3A_39 : memref<79x128xi32, #tpu.memory_space<hbm>>) target(%arg5 : memref<79x128xi32, #tpu.memory_space<vmem>>) target_semaphore(%run_scoped3A : memref<!tpu.dma_semaphore, #tpu.memory_space<semaphore_mem>>)
      %dma_wait3A = arith.constant 0 : i32
      %dma_wait3A_40 = arith.constant 0 : i32
      %dma_wait3A_41 = tpu.memref_slice %arg2[%add3A, %dma_wait3A, %dma_wait3A_40] : memref<32x79x128xi32, #tpu.memory_space<hbm>> -> memref<1x79x128xi32, #tpu.memory_space<hbm>>
      %dma_wait3A_42 = tpu.memref_squeeze %dma_wait3A_41 : memref<1x79x128xi32, #tpu.memory_space<hbm>> -> memref<79x128xi32, #tpu.memory_space<hbm>>
      %dma_wait3A_43 = arith.constant 0 : i32
      %dma_wait3A_44 = arith.constant 0 : i32
      %dma_wait3A_45 = tpu.memref_slice %arg2[%add3A, %dma_wait3A_43, %dma_wait3A_44] : memref<32x79x128xi32, #tpu.memory_space<hbm>> -> memref<1x79x128xi32, #tpu.memory_space<hbm>>
      %dma_wait3A_46 = tpu.memref_squeeze %dma_wait3A_45 : memref<1x79x128xi32, #tpu.memory_space<hbm>> -> memref<79x128xi32, #tpu.memory_space<hbm>>
      tpu.wait_dma2 semaphore(%run_scoped3A : memref<!tpu.dma_semaphore, #tpu.memory_space<semaphore_mem>>) src(%dma_wait3A_46 : memref<79x128xi32, #tpu.memory_space<hbm>>) dst(%arg5 : memref<79x128xi32, #tpu.memory_space<vmem>>)
      tpu.yield
    }) : () -> ()
    %scan3A = arith.constant 0 : i32
    %scan3A_5 = arith.constant 0 : i32
    %scan3A_6 = arith.constant 79 : i32
    %scan3A_7 = arith.addi %scan3A_5, %scan3A_6 : i32
    %scan3A_8 = arith.constant 1 : i32
    scf.for %scan3A_33 = %scan3A_5 to %scan3A_7 step %scan3A_8  : i32 {
      %get3A = arith.index_cast %scan3A_33 : i32 to index
      %get3A_34 = arith.constant 0 : index
      %get3A_35 = tpu.vector_load %arg5[%get3A, %get3A_34] {strides = array<i32>} : memref<79x128xi32, #tpu.memory_space<vmem>>, vector<1x16xi32>,
      %get3A_36 = vector.shape_cast %get3A_35 : vector<1x16xi32> to vector<16xi32>
      %shift_right_logical3A = arith.constant 16 : i32
      %shift_right_logical3A_37 = vector.broadcast %shift_right_logical3A : i32 to vector<16xi32>
      %shift_right_logical3A_38 = arith.shrui %get3A_36, %shift_right_logical3A_37 : vector<16xi32>
      %swap3A = arith.index_cast %scan3A_33 : i32 to index
      %swap3A_39 = arith.constant 0 : index
      %swap3A_40 = tpu.vector_load %arg6[%swap3A, %swap3A_39] {strides = array<i32>} : memref<79x128xi32, #tpu.memory_space<vmem>>, vector<1x16xi32>,
      %swap3A_41 = vector.shape_cast %swap3A_40 : vector<1x16xi32> to vector<16xi32>
      %swap3A_42 = vector.shape_cast %shift_right_logical3A_38 : vector<16xi32> to vector<1x16xi32>
      tpu.vector_store %arg6[%swap3A, %swap3A_39], %swap3A_42 {strides = array<i32>} : memref<79x128xi32, #tpu.memory_space<vmem>>, vector<1x16xi32>,
      %get3A_43 = arith.index_cast %scan3A_33 : i32 to index
      %get3A_44 = arith.constant 16 : index
      %get3A_45 = tpu.vector_load %arg5[%get3A_43, %get3A_44] {strides = array<i32>} : memref<79x128xi32, #tpu.memory_space<vmem>>, vector<1x16xi32>,
      %get3A_46 = vector.shape_cast %get3A_45 : vector<1x16xi32> to vector<16xi32>
      %shift_right_logical3A_47 = arith.constant 16 : i32
      %shift_right_logical3A_48 = vector.broadcast %shift_right_logical3A_47 : i32 to vector<16xi32>
      %shift_right_logical3A_49 = arith.shrui %get3A_46, %shift_right_logical3A_48 : vector<16xi32>
      %swap3A_50 = arith.index_cast %scan3A_33 : i32 to index
      %swap3A_51 = arith.constant 16 : index
      %swap3A_52 = tpu.vector_load %arg6[%swap3A_50, %swap3A_51] {strides = array<i32>} : memref<79x128xi32, #tpu.memory_space<vmem>>, vector<1x16xi32>,
      %swap3A_53 = vector.shape_cast %swap3A_52 : vector<1x16xi32> to vector<16xi32>
      %swap3A_54 = vector.shape_cast %shift_right_logical3A_49 : vector<16xi32> to vector<1x16xi32>
      tpu.vector_store %arg6[%swap3A_50, %swap3A_51], %swap3A_54 {strides = array<i32>} : memref<79x128xi32, #tpu.memory_space<vmem>>, vector<1x16xi32>,
      %get3A_55 = arith.index_cast %scan3A_33 : i32 to index
      %get3A_56 = arith.constant 32 : index
      %get3A_57 = tpu.vector_load %arg5[%get3A_55, %get3A_56] {strides = array<i32>} : memref<79x128xi32, #tpu.memory_space<vmem>>, vector<1x16xi32>,
      %get3A_58 = vector.shape_cast %get3A_57 : vector<1x16xi32> to vector<16xi32>
      %shift_right_logical3A_59 = arith.constant 16 : i32
      %shift_right_logical3A_60 = vector.broadcast %shift_right_logical3A_59 : i32 to vector<16xi32>
      %shift_right_logical3A_61 = arith.shrui %get3A_58, %shift_right_logical3A_60 : vector<16xi32>
      %swap3A_62 = arith.index_cast %scan3A_33 : i32 to index
      %swap3A_63 = arith.constant 32 : index
      %swap3A_64 = tpu.vector_load %arg6[%swap3A_62, %swap3A_63] {strides = array<i32>} : memref<79x128xi32, #tpu.memory_space<vmem>>, vector<1x16xi32>,
      %swap3A_65 = vector.shape_cast %swap3A_64 : vector<1x16xi32> to vector<16xi32>
      %swap3A_66 = vector.shape_cast %shift_right_logical3A_61 : vector<16xi32> to vector<1x16xi32>
      tpu.vector_store %arg6[%swap3A_62, %swap3A_63], %swap3A_66 {strides = array<i32>} : memref<79x128xi32, #tpu.memory_space<vmem>>, vector<1x16xi32>,
      %get3A_67 = arith.index_cast %scan3A_33 : i32 to index
      %get3A_68 = arith.constant 48 : index
      %get3A_69 = tpu.vector_load %arg5[%get3A_67, %get3A_68] {strides = array<i32>} : memref<79x128xi32, #tpu.memory_space<vmem>>, vector<1x16xi32>,
      %get3A_70 = vector.shape_cast %get3A_69 : vector<1x16xi32> to vector<16xi32>
      %shift_right_logical3A_71 = arith.constant 16 : i32
      %shift_right_logical3A_72 = vector.broadcast %shift_right_logical3A_71 : i32 to vector<16xi32>
      %shift_right_logical3A_73 = arith.shrui %get3A_70, %shift_right_logical3A_72 : vector<16xi32>
      %swap3A_74 = arith.index_cast %scan3A_33 : i32 to index
      %swap3A_75 = arith.constant 48 : index
      %swap3A_76 = tpu.vector_load %arg6[%swap3A_74, %swap3A_75] {strides = array<i32>} : memref<79x128xi32, #tpu.memory_space<vmem>>, vector<1x16xi32>,
      %swap3A_77 = vector.shape_cast %swap3A_76 : vector<1x16xi32> to vector<16xi32>
      %swap3A_78 = vector.shape_cast %shift_right_logical3A_73 : vector<16xi32> to vector<1x16xi32>
      tpu.vector_store %arg6[%swap3A_74, %swap3A_75], %swap3A_78 {strides = array<i32>} : memref<79x128xi32, #tpu.memory_space<vmem>>, vector<1x16xi32>,
      %get3A_79 = arith.index_cast %scan3A_33 : i32 to index
      %get3A_80 = arith.constant 64 : index
      %get3A_81 = tpu.vector_load %arg5[%get3A_79, %get3A_80] {strides = array<i32>} : memref<79x128xi32, #tpu.memory_space<vmem>>, vector<1x16xi32>,
      %get3A_82 = vector.shape_cast %get3A_81 : vector<1x16xi32> to vector<16xi32>
      %shift_right_logical3A_83 = arith.constant 16 : i32
      %shift_right_logical3A_84 = vector.broadcast %shift_right_logical3A_83 : i32 to vector<16xi32>
      %shift_right_logical3A_85 = arith.shrui %get3A_82, %shift_right_logical3A_84 : vector<16xi32>
      %swap3A_86 = arith.index_cast %scan3A_33 : i32 to index
      %swap3A_87 = arith.constant 64 : index
      %swap3A_88 = tpu.vector_load %arg6[%swap3A_86, %swap3A_87] {strides = array<i32>} : memref<79x128xi32, #tpu.memory_space<vmem>>, vector<1x16xi32>,
      %swap3A_89 = vector.shape_cast %swap3A_88 : vector<1x16xi32> to vector<16xi32>
      %swap3A_90 = vector.shape_cast %shift_right_logical3A_85 : vector<16xi32> to vector<1x16xi32>
      tpu.vector_store %arg6[%swap3A_86, %swap3A_87], %swap3A_90 {strides = array<i32>} : memref<79x128xi32, #tpu.memory_space<vmem>>, vector<1x16xi32>,
      %get3A_91 = arith.index_cast %scan3A_33 : i32 to index
      %get3A_92 = arith.constant 80 : index
      %get3A_93 = tpu.vector_load %arg5[%get3A_91, %get3A_92] {strides = array<i32>} : memref<79x128xi32, #tpu.memory_space<vmem>>, vector<1x16xi32>,
      %get3A_94 = vector.shape_cast %get3A_93 : vector<1x16xi32> to vector<16xi32>
      %shift_right_logical3A_95 = arith.constant 16 : i32
      %shift_right_logical3A_96 = vector.broadcast %shift_right_logical3A_95 : i32 to vector<16xi32>
      %shift_right_logical3A_97 = arith.shrui %get3A_94, %shift_right_logical3A_96 : vector<16xi32>
      %swap3A_98 = arith.index_cast %scan3A_33 : i32 to index
      %swap3A_99 = arith.constant 80 : index
      %swap3A_100 = tpu.vector_load %arg6[%swap3A_98, %swap3A_99] {strides = array<i32>} : memref<79x128xi32, #tpu.memory_space<vmem>>, vector<1x16xi32>,
      %swap3A_101 = vector.shape_cast %swap3A_100 : vector<1x16xi32> to vector<16xi32>
      %swap3A_102 = vector.shape_cast %shift_right_logical3A_97 : vector<16xi32> to vector<1x16xi32>
      tpu.vector_store %arg6[%swap3A_98, %swap3A_99], %swap3A_102 {strides = array<i32>} : memref<79x128xi32, #tpu.memory_space<vmem>>, vector<1x16xi32>,
      %get3A_103 = arith.index_cast %scan3A_33 : i32 to index
      %get3A_104 = arith.constant 96 : index
      %get3A_105 = tpu.vector_load %arg5[%get3A_103, %get3A_104] {strides = array<i32>} : memref<79x128xi32, #tpu.memory_space<vmem>>, vector<1x16xi32>,
      %get3A_106 = vector.shape_cast %get3A_105 : vector<1x16xi32> to vector<16xi32>
      %shift_right_logical3A_107 = arith.constant 16 : i32
      %shift_right_logical3A_108 = vector.broadcast %shift_right_logical3A_107 : i32 to vector<16xi32>
      %shift_right_logical3A_109 = arith.shrui %get3A_106, %shift_right_logical3A_108 : vector<16xi32>
      %swap3A_110 = arith.index_cast %scan3A_33 : i32 to index
      %swap3A_111 = arith.constant 96 : index
      %swap3A_112 = tpu.vector_load %arg6[%swap3A_110, %swap3A_111] {strides = array<i32>} : memref<79x128xi32, #tpu.memory_space<vmem>>, vector<1x16xi32>,
      %swap3A_113 = vector.shape_cast %swap3A_112 : vector<1x16xi32> to vector<16xi32>
      %swap3A_114 = vector.shape_cast %shift_right_logical3A_109 : vector<16xi32> to vector<1x16xi32>
      tpu.vector_store %arg6[%swap3A_110, %swap3A_111], %swap3A_114 {strides = array<i32>} : memref<79x128xi32, #tpu.memory_space<vmem>>, vector<1x16xi32>,
      %get3A_115 = arith.index_cast %scan3A_33 : i32 to index
      %get3A_116 = arith.constant 112 : index
      %get3A_117 = tpu.vector_load %arg5[%get3A_115, %get3A_116] {strides = array<i32>} : memref<79x128xi32, #tpu.memory_space<vmem>>, vector<1x16xi32>,
      %get3A_118 = vector.shape_cast %get3A_117 : vector<1x16xi32> to vector<16xi32>
      %shift_right_logical3A_119 = arith.constant 16 : i32
      %shift_right_logical3A_120 = vector.broadcast %shift_right_logical3A_119 : i32 to vector<16xi32>
      %shift_right_logical3A_121 = arith.shrui %get3A_118, %shift_right_logical3A_120 : vector<16xi32>
      %swap3A_122 = arith.index_cast %scan3A_33 : i32 to index
      %swap3A_123 = arith.constant 112 : index
      %swap3A_124 = tpu.vector_load %arg6[%swap3A_122, %swap3A_123] {strides = array<i32>} : memref<79x128xi32, #tpu.memory_space<vmem>>, vector<1x16xi32>,
      %swap3A_125 = vector.shape_cast %swap3A_124 : vector<1x16xi32> to vector<16xi32>
      %swap3A_126 = vector.shape_cast %shift_right_logical3A_121 : vector<16xi32> to vector<1x16xi32>
      tpu.vector_store %arg6[%swap3A_122, %swap3A_123], %swap3A_126 {strides = array<i32>} : memref<79x128xi32, #tpu.memory_space<vmem>>, vector<1x16xi32>,
    }
    %scan3A_9 = arith.constant 79 : i32
    %iota3A = tpu.iota {dimensions = array<i32: 0>} : vector<16xi32>
    %eq3A = arith.constant 0 : i32
    %eq3A_10 = vector.broadcast %eq3A : i32 to vector<16xi32>
    %eq3A_11 = arith.cmpi eq, %iota3A, %eq3A_10 : vector<16xi32>
    %jit3A = arith.constant 1.000000e+00 : f32
    %jit3A_12 = arith.constant 0.000000e+00 : f32
    %broadcast_in_dim3A = vector.broadcast %jit3A : f32 to vector<16xf32>
    %broadcast_in_dim3A_13 = vector.broadcast %jit3A_12 : f32 to vector<16xf32>
    %select_n3A = arith.select %eq3A_11, %broadcast_in_dim3A, %broadcast_in_dim3A_13 : vector<16xi1>, vector<16xf32>
    %broadcast_in_dim3A_14 = arith.constant 0.000000e+00 : f32
    %broadcast_in_dim3A_15 = vector.broadcast %broadcast_in_dim3A_14 : f32 to vector<16xf32>
    %scan3A_16 = arith.constant 0 : i32
    %scan3A_17 = arith.constant 0 : i32
    %scan3A_18 = arith.constant 128 : i32
    %scan3A_19 = arith.addi %scan3A_17, %scan3A_18 : i32
    %scan3A_20 = arith.constant 1 : i32
    scf.for %scan3A_33 = %scan3A_17 to %scan3A_19 step %scan3A_20  : i32 {
      %swap3A = arith.index_cast %scan3A_33 : i32 to index
      %swap3A_34 = arith.constant 0 : index
      %swap3A_35 = tpu.vector_load %arg7[%swap3A, %swap3A_34] {strides = array<i32>} : memref<128x128xf32, #tpu.memory_space<vmem>>, vector<1x16xf32>,
      %swap3A_36 = vector.shape_cast %swap3A_35 : vector<1x16xf32> to vector<16xf32>
      %swap3A_37 = vector.shape_cast %select_n3A : vector<16xf32> to vector<1x16xf32>
      tpu.vector_store %arg7[%swap3A, %swap3A_34], %swap3A_37 {strides = array<i32>} : memref<128x128xf32, #tpu.memory_space<vmem>>, vector<1x16xf32>,
      %swap3A_38 = arith.index_cast %scan3A_33 : i32 to index
      %swap3A_39 = arith.constant 16 : index
      %swap3A_40 = tpu.vector_load %arg7[%swap3A_38, %swap3A_39] {strides = array<i32>} : memref<128x128xf32, #tpu.memory_space<vmem>>, vector<1x16xf32>,
      %swap3A_41 = vector.shape_cast %swap3A_40 : vector<1x16xf32> to vector<16xf32>
      %swap3A_42 = vector.shape_cast %broadcast_in_dim3A_15 : vector<16xf32> to vector<1x16xf32>
      tpu.vector_store %arg7[%swap3A_38, %swap3A_39], %swap3A_42 {strides = array<i32>} : memref<128x128xf32, #tpu.memory_space<vmem>>, vector<1x16xf32>,
      %swap3A_43 = arith.index_cast %scan3A_33 : i32 to index
      %swap3A_44 = arith.constant 32 : index
      %swap3A_45 = tpu.vector_load %arg7[%swap3A_43, %swap3A_44] {strides = array<i32>} : memref<128x128xf32, #tpu.memory_space<vmem>>, vector<1x16xf32>,
      %swap3A_46 = vector.shape_cast %swap3A_45 : vector<1x16xf32> to vector<16xf32>
      %swap3A_47 = vector.shape_cast %broadcast_in_dim3A_15 : vector<16xf32> to vector<1x16xf32>
      tpu.vector_store %arg7[%swap3A_43, %swap3A_44], %swap3A_47 {strides = array<i32>} : memref<128x128xf32, #tpu.memory_space<vmem>>, vector<1x16xf32>,
      %swap3A_48 = arith.index_cast %scan3A_33 : i32 to index
      %swap3A_49 = arith.constant 48 : index
      %swap3A_50 = tpu.vector_load %arg7[%swap3A_48, %swap3A_49] {strides = array<i32>} : memref<128x128xf32, #tpu.memory_space<vmem>>, vector<1x16xf32>,
      %swap3A_51 = vector.shape_cast %swap3A_50 : vector<1x16xf32> to vector<16xf32>
      %swap3A_52 = vector.shape_cast %broadcast_in_dim3A_15 : vector<16xf32> to vector<1x16xf32>
      tpu.vector_store %arg7[%swap3A_48, %swap3A_49], %swap3A_52 {strides = array<i32>} : memref<128x128xf32, #tpu.memory_space<vmem>>, vector<1x16xf32>,
      %swap3A_53 = arith.index_cast %scan3A_33 : i32 to index
      %swap3A_54 = arith.constant 64 : index
      %swap3A_55 = tpu.vector_load %arg7[%swap3A_53, %swap3A_54] {strides = array<i32>} : memref<128x128xf32, #tpu.memory_space<vmem>>, vector<1x16xf32>,
      %swap3A_56 = vector.shape_cast %swap3A_55 : vector<1x16xf32> to vector<16xf32>
      %swap3A_57 = vector.shape_cast %broadcast_in_dim3A_15 : vector<16xf32> to vector<1x16xf32>
      tpu.vector_store %arg7[%swap3A_53, %swap3A_54], %swap3A_57 {strides = array<i32>} : memref<128x128xf32, #tpu.memory_space<vmem>>, vector<1x16xf32>,
      %swap3A_58 = arith.index_cast %scan3A_33 : i32 to index
      %swap3A_59 = arith.constant 80 : index
      %swap3A_60 = tpu.vector_load %arg7[%swap3A_58, %swap3A_59] {strides = array<i32>} : memref<128x128xf32, #tpu.memory_space<vmem>>, vector<1x16xf32>,
      %swap3A_61 = vector.shape_cast %swap3A_60 : vector<1x16xf32> to vector<16xf32>
      %swap3A_62 = vector.shape_cast %broadcast_in_dim3A_15 : vector<16xf32> to vector<1x16xf32>
      tpu.vector_store %arg7[%swap3A_58, %swap3A_59], %swap3A_62 {strides = array<i32>} : memref<128x128xf32, #tpu.memory_space<vmem>>, vector<1x16xf32>,
      %swap3A_63 = arith.index_cast %scan3A_33 : i32 to index
      %swap3A_64 = arith.constant 96 : index
      %swap3A_65 = tpu.vector_load %arg7[%swap3A_63, %swap3A_64] {strides = array<i32>} : memref<128x128xf32, #tpu.memory_space<vmem>>, vector<1x16xf32>,
      %swap3A_66 = vector.shape_cast %swap3A_65 : vector<1x16xf32> to vector<16xf32>
      %swap3A_67 = vector.shape_cast %broadcast_in_dim3A_15 : vector<16xf32> to vector<1x16xf32>
      tpu.vector_store %arg7[%swap3A_63, %swap3A_64], %swap3A_67 {strides = array<i32>} : memref<128x128xf32, #tpu.memory_space<vmem>>, vector<1x16xf32>,
      %swap3A_68 = arith.index_cast %scan3A_33 : i32 to index
      %swap3A_69 = arith.constant 112 : index
      %swap3A_70 = tpu.vector_load %arg7[%swap3A_68, %swap3A_69] {strides = array<i32>} : memref<128x128xf32, #tpu.memory_space<vmem>>, vector<1x16xf32>,
      %swap3A_71 = vector.shape_cast %swap3A_70 : vector<1x16xf32> to vector<16xf32>
      %swap3A_72 = vector.shape_cast %broadcast_in_dim3A_15 : vector<16xf32> to vector<1x16xf32>
      tpu.vector_store %arg7[%swap3A_68, %swap3A_69], %swap3A_72 {strides = array<i32>} : memref<128x128xf32, #tpu.memory_space<vmem>>, vector<1x16xf32>,
    }
    %scan3A_21 = arith.constant 128 : i32
    %barrier3A = arith.constant 0 : index
    tpu.barrier barrier_id(%barrier3A)
    %scan3A_22 = arith.constant 0 : i32
    %scan3A_23 = arith.constant 0 : i32
    %scan3A_24 = arith.constant 79 : i32
    %scan3A_25 = arith.addi %scan3A_23, %scan3A_24 : i32
    %scan3A_26 = arith.constant 1 : i32
    scf.for %scan3A_33 = %scan3A_23 to %scan3A_25 step %scan3A_26  : i32 {
      "tpu.region"() ({
        %run_scoped3A = tpu.sem_alloc : memref<!tpu.dma_semaphore, #tpu.memory_space<semaphore_mem>>
        %dma_start3A = arith.constant 0 : i32
        %dma_start3A_34 = tpu.memref_slice %arg6[%scan3A_33, %dma_start3A] : memref<79x128xi32, #tpu.memory_space<vmem>> -> memref<1x128xi32, #tpu.memory_space<vmem>>
        %dma_start3A_35 = tpu.memref_squeeze %dma_start3A_34 : memref<1x128xi32, #tpu.memory_space<vmem>> -> memref<128xi32, #tpu.memory_space<vmem>>
        %dma_start3A_36 = arith.constant 0 : i32
        %dma_start3A_37 = arith.constant 0 : i32
        %dma_start3A_38 = tpu.memref_slice %arg8[%dma_start3A_36, %dma_start3A_37] : memref<10112x128xf32, #tpu.memory_space<vmem_shared>> -> memref<10112x128xf32, #tpu.memory_space<vmem_shared>>
        tpu.enqueue_indirect_dma source(%arg7 : memref<128x128xf32, #tpu.memory_space<vmem>>) target(%dma_start3A_38 : memref<10112x128xf32, #tpu.memory_space<vmem_shared>>) offsets(%dma_start3A_35 : memref<128xi32, #tpu.memory_space<vmem>>) semaphore(%run_scoped3A : memref<!tpu.dma_semaphore, #tpu.memory_space<semaphore_mem>>) {add = true}
        %dma_wait3A = arith.constant 0 : i32
        %dma_wait3A_39 = tpu.memref_slice %arg6[%scan3A_33, %dma_wait3A] : memref<79x128xi32, #tpu.memory_space<vmem>> -> memref<1x128xi32, #tpu.memory_space<vmem>>
        %dma_wait3A_40 = tpu.memref_squeeze %dma_wait3A_39 : memref<1x128xi32, #tpu.memory_space<vmem>> -> memref<128xi32, #tpu.memory_space<vmem>>
        %dma_wait3A_41 = arith.constant 0 : i32
        %dma_wait3A_42 = arith.constant 0 : i32
        %dma_wait3A_43 = tpu.memref_slice %arg8[%dma_wait3A_41, %dma_wait3A_42] : memref<10112x128xf32, #tpu.memory_space<vmem_shared>> -> memref<10112x128xf32, #tpu.memory_space<vmem_shared>>
        tpu.wait_indirect_dma semaphore(%run_scoped3A : memref<!tpu.dma_semaphore, #tpu.memory_space<semaphore_mem>>) src(%arg7 : memref<128x128xf32, #tpu.memory_space<vmem>>) dst(%dma_wait3A_43 : memref<10112x128xf32, #tpu.memory_space<vmem_shared>>)
        tpu.yield
      }) : () -> ()
    }
    %scan3A_27 = arith.constant 79 : i32
    %barrier3A_28 = arith.constant 0 : index
    tpu.barrier barrier_id(%barrier3A_28)
    %mul3A_29 = arith.constant 632 : i32
    %mul3A_30 = arith.muli %arg1, %mul3A_29 : i32
    %mul3A_31 = arith.constant 632 : i32
    %mul3A_32 = arith.muli %arg1, %mul3A_31 : i32
    "tpu.region"() ({
      %run_scoped3A = tpu.sem_alloc : memref<!tpu.dma_semaphore, #tpu.memory_space<semaphore_mem>>
      %dma_start3A = arith.constant 0 : i32
      %dma_start3A_33 = tpu.memref_slice %arg4[%arg0, %mul3A_32, %dma_start3A] : memref<2x10112x128xf32, #tpu.memory_space<hbm>> -> memref<1x632x128xf32, #tpu.memory_space<hbm>>
      %dma_start3A_34 = tpu.memref_squeeze %dma_start3A_33 : memref<1x632x128xf32, #tpu.memory_space<hbm>> -> memref<632x128xf32, #tpu.memory_space<hbm>>
      %dma_start3A_35 = arith.constant 0 : i32
      %dma_start3A_36 = tpu.memref_slice %arg8[%mul3A_30, %dma_start3A_35] : memref<10112x128xf32, #tpu.memory_space<vmem_shared>> -> memref<632x128xf32, #tpu.memory_space<vmem_shared>>
      tpu.enqueue_dma source(%dma_start3A_36 : memref<632x128xf32, #tpu.memory_space<vmem_shared>>) target(%dma_start3A_34 : memref<632x128xf32, #tpu.memory_space<hbm>>) target_semaphore(%run_scoped3A : memref<!tpu.dma_semaphore, #tpu.memory_space<semaphore_mem>>)
      %dma_wait3A = arith.constant 0 : i32
      %dma_wait3A_37 = tpu.memref_slice %arg4[%arg0, %mul3A_32, %dma_wait3A] : memref<2x10112x128xf32, #tpu.memory_space<hbm>> -> memref<1x632x128xf32, #tpu.memory_space<hbm>>
      %dma_wait3A_38 = tpu.memref_squeeze %dma_wait3A_37 : memref<1x632x128xf32, #tpu.memory_space<hbm>> -> memref<632x128xf32, #tpu.memory_space<hbm>>
      %dma_wait3A_39 = arith.constant 0 : i32
      %dma_wait3A_40 = tpu.memref_slice %arg8[%mul3A_30, %dma_wait3A_39] : memref<10112x128xf32, #tpu.memory_space<vmem_shared>> -> memref<632x128xf32, #tpu.memory_space<vmem_shared>>
      tpu.wait_dma2 semaphore(%run_scoped3A : memref<!tpu.dma_semaphore, #tpu.memory_space<semaphore_mem>>) src(%dma_wait3A_40 : memref<632x128xf32, #tpu.memory_space<vmem_shared>>) dst(%dma_wait3A_38 : memref<632x128xf32, #tpu.memory_space<hbm>>)
      tpu.yield
    }) : () -> ()
    return
  }
}

module attributes {stable_mosaic.version = 14 : i64} {
  func.func @_mm_body(%arg0: i32, %arg1: memref<2528x128xf32, #tpu.memory_space<vmem>>, %arg2: memref<128x128xf32, #tpu.memory_space<vmem>>, %arg3: memref<2528x128xf32, #tpu.memory_space<vmem>>) attributes {dimension_semantics = [#tpu.dimension_semantics<arbitrary>], iteration_bounds = array<i64: 4>, scalar_prefetch = 0 : i64, scratch_operands = 0 : i64, tpu.core_type = #tpu.core_type<tc>, window_params = [{transform_indices = @transform_0, window_bounds = array<i64: 2528, 128>}, {pipeline_mode = #tpu.pipeline_mode<synchronous>, transform_indices = @transform_1, window_bounds = array<i64: 128, 128>}, {transform_indices = @transform_2, window_bounds = array<i64: 2528, 128>}]} {
    %get3A = arith.constant 0 : index
    %get3A_0 = arith.constant 0 : index
    %get3A_1 = vector.load %arg1[%get3A, %get3A_0] : memref<2528x128xf32, #tpu.memory_space<vmem>>, vector<2528x128xf32>
    %get3A_2 = arith.constant 0 : index
    %get3A_3 = arith.constant 0 : index
    %get3A_4 = vector.load %arg2[%get3A_2, %get3A_3] : memref<128x128xf32, #tpu.memory_space<vmem>>, vector<128x128xf32>
    %dot_general3A = arith.constant dense<0.000000e+00> : vector<2528x128xf32>
    %dot_general3A_5 = tpu.matmul %get3A_1, %get3A_4, %dot_general3A {dimension_numbers = #tpu.dot_dimension_numbers<[1], [0], [0], [1], [0, 0, 1, 1], [], []>, transpose_lhs_hint = false} : vector<2528x128xf32>, vector<128x128xf32>, vector<2528x128xf32> -> vector<2528x128xf32>
    %swap3A = arith.constant 0 : index
    %swap3A_6 = arith.constant 0 : index
    %swap3A_7 = vector.load %arg3[%swap3A, %swap3A_6] : memref<2528x128xf32, #tpu.memory_space<vmem>>, vector<2528x128xf32>
    tpu.vector_store %arg3[%swap3A, %swap3A_6], %dot_general3A_5 {strides = array<i32>} : memref<2528x128xf32, #tpu.memory_space<vmem>>, vector<2528x128xf32>,
    return
  }
  func.func @transform_0(%arg0: i32) -> (i32, i32) {
    %c0_i32 = arith.constant 0 : i32
    %c0_i32_0 = arith.constant 0 : i32
    return %arg0, %c0_i32 : i32, i32
  }
  func.func @transform_1(%arg0: i32) -> (i32, i32) {
    %c0_i32 = arith.constant 0 : i32
    %c0_i32_0 = arith.constant 0 : i32
    %c0_i32_1 = arith.constant 0 : i32
    return %c0_i32, %c0_i32_0 : i32, i32
  }
  func.func @transform_2(%arg0: i32) -> (i32, i32) {
    %c0_i32 = arith.constant 0 : i32
    %c0_i32_0 = arith.constant 0 : i32
    return %arg0, %c0_i32 : i32, i32
  }
}

module attributes {stable_mosaic.version = 14 : i64} {
  func.func @_combine_body(%arg0: i32, %arg1: memref<2x2528x128xf32, #tpu.memory_space<vmem>>, %arg2: memref<2x2528x128xf32, #tpu.memory_space<vmem>>, %arg3: memref<1x128xf32, #tpu.memory_space<vmem>>, %arg4: memref<128x128xf32, #tpu.memory_space<vmem>>, %arg5: memref<2528x128xf32, #tpu.memory_space<vmem>>) attributes {dimension_semantics = [#tpu.dimension_semantics<arbitrary>], iteration_bounds = array<i64: 4>, scalar_prefetch = 0 : i64, scratch_operands = 0 : i64, tpu.core_type = #tpu.core_type<tc>, window_params = [{transform_indices = @transform_0, window_bounds = array<i64: 2, 2528, 128>}, {transform_indices = @transform_1, window_bounds = array<i64: 2, 2528, 128>}, {pipeline_mode = #tpu.pipeline_mode<synchronous>, transform_indices = @transform_2, window_bounds = array<i64: 1, 128>}, {pipeline_mode = #tpu.pipeline_mode<synchronous>, transform_indices = @transform_3, window_bounds = array<i64: 128, 128>}, {transform_indices = @transform_4, window_bounds = array<i64: 2528, 128>}]} {
    %get3A = arith.constant 0 : index
    %get3A_0 = arith.constant 0 : index
    %get3A_1 = arith.constant 0 : index
    %get3A_2 = vector.load %arg1[%get3A, %get3A_0, %get3A_1] : memref<2x2528x128xf32, #tpu.memory_space<vmem>>, vector<1x2528x128xf32>
    %get3A_3 = vector.shape_cast %get3A_2 : vector<1x2528x128xf32> to vector<2528x128xf32>
    %get3A_4 = arith.constant 1 : index
    %get3A_5 = arith.constant 0 : index
    %get3A_6 = arith.constant 0 : index
    %get3A_7 = vector.load %arg1[%get3A_4, %get3A_5, %get3A_6] : memref<2x2528x128xf32, #tpu.memory_space<vmem>>, vector<1x2528x128xf32>
    %get3A_8 = vector.shape_cast %get3A_7 : vector<1x2528x128xf32> to vector<2528x128xf32>
    %add3A = arith.addf %get3A_3, %get3A_8 : vector<2528x128xf32>
    %get3A_9 = arith.constant 0 : index
    %get3A_10 = arith.constant 0 : index
    %get3A_11 = arith.constant 0 : index
    %get3A_12 = vector.load %arg2[%get3A_9, %get3A_10, %get3A_11] : memref<2x2528x128xf32, #tpu.memory_space<vmem>>, vector<1x2528x1xf32>
    %get3A_13 = vector.shape_cast %get3A_12 : vector<1x2528x1xf32> to vector<2528x1xf32>
    %get3A_14 = arith.constant 1 : index
    %get3A_15 = arith.constant 0 : index
    %get3A_16 = arith.constant 0 : index
    %get3A_17 = vector.load %arg2[%get3A_14, %get3A_15, %get3A_16] : memref<2x2528x128xf32, #tpu.memory_space<vmem>>, vector<1x2528x1xf32>
    %get3A_18 = vector.shape_cast %get3A_17 : vector<1x2528x1xf32> to vector<2528x1xf32>
    %add3A_19 = arith.addf %get3A_13, %get3A_18 : vector<2528x1xf32>
    %max3A = arith.constant 1.000000e+00 : f32
    %max3A_20 = vector.broadcast %max3A : f32 to vector<2528x1xf32>
    %max3A_21 = arith.maximumf %add3A_19, %max3A_20 : vector<2528x1xf32>
    %div3A = arith.constant 1.000000e+00 : f32
    %div3A_22 = vector.broadcast %div3A : f32 to vector<2528x1xf32>
    %div3A_23 = arith.divf %div3A_22, %max3A_21 : vector<2528x1xf32>
    %mul3A = vector.broadcast %div3A_23 : vector<2528x1xf32> to vector<2528x128xf32>
    %mul3A_24 = arith.mulf %add3A, %mul3A : vector<2528x128xf32>
    %get3A_25 = arith.constant 0 : index
    %get3A_26 = arith.constant 0 : index
    %get3A_27 = vector.load %arg3[%get3A_25, %get3A_26] : memref<1x128xf32, #tpu.memory_space<vmem>>, vector<1x128xf32>
    %add3A_28 = vector.broadcast %get3A_27 : vector<1x128xf32> to vector<2528x128xf32>
    %add3A_29 = arith.addf %mul3A_24, %add3A_28 : vector<2528x128xf32>
    %ge3A = arith.constant 0.000000e+00 : f32
    %ge3A_30 = vector.broadcast %ge3A : f32 to vector<2528x128xf32>
    %ge3A_31 = arith.cmpf oge, %add3A_29, %ge3A_30 : vector<2528x128xf32>
    %mul3A_32 = arith.constant 2.000000e-01 : f32
    %mul3A_33 = vector.broadcast %mul3A_32 : f32 to vector<2528x128xf32>
    %mul3A_34 = arith.mulf %mul3A_33, %add3A_29 : vector<2528x128xf32>
    %select_n3A = arith.select %ge3A_31, %add3A_29, %mul3A_34 : vector<2528x128xi1>, vector<2528x128xf32>
    %get3A_35 = arith.constant 0 : index
    %get3A_36 = arith.constant 0 : index
    %get3A_37 = vector.load %arg4[%get3A_35, %get3A_36] : memref<128x128xf32, #tpu.memory_space<vmem>>, vector<128x128xf32>
    %dot_general3A = arith.constant dense<0.000000e+00> : vector<2528x128xf32>
    %dot_general3A_38 = tpu.matmul %select_n3A, %get3A_37, %dot_general3A {dimension_numbers = #tpu.dot_dimension_numbers<[1], [0], [0], [1], [0, 0, 1, 1], [], []>, transpose_lhs_hint = false} : vector<2528x128xf32>, vector<128x128xf32>, vector<2528x128xf32> -> vector<2528x128xf32>
    %swap3A = arith.constant 0 : index
    %swap3A_39 = arith.constant 0 : index
    %swap3A_40 = vector.load %arg5[%swap3A, %swap3A_39] : memref<2528x128xf32, #tpu.memory_space<vmem>>, vector<2528x128xf32>
    tpu.vector_store %arg5[%swap3A, %swap3A_39], %dot_general3A_38 {strides = array<i32>} : memref<2528x128xf32, #tpu.memory_space<vmem>>, vector<2528x128xf32>,
    return
  }
  func.func @transform_0(%arg0: i32) -> (i32, i32, i32) {
    %c0_i32 = arith.constant 0 : i32
    %c0_i32_0 = arith.constant 0 : i32
    %c0_i32_1 = arith.constant 0 : i32
    return %c0_i32, %arg0, %c0_i32_0 : i32, i32, i32
  }
  func.func @transform_1(%arg0: i32) -> (i32, i32, i32) {
    %c0_i32 = arith.constant 0 : i32
    %c0_i32_0 = arith.constant 0 : i32
    %c0_i32_1 = arith.constant 0 : i32
    return %c0_i32, %arg0, %c0_i32_0 : i32, i32, i32
  }
  func.func @transform_2(%arg0: i32) -> (i32, i32) {
    %c0_i32 = arith.constant 0 : i32
    %c0_i32_0 = arith.constant 0 : i32
    %c0_i32_1 = arith.constant 0 : i32
    return %c0_i32, %c0_i32_0 : i32, i32
  }
  func.func @transform_3(%arg0: i32) -> (i32, i32) {
    %c0_i32 = arith.constant 0 : i32
    %c0_i32_0 = arith.constant 0 : i32
    %c0_i32_1 = arith.constant 0 : i32
    return %c0_i32, %c0_i32_0 : i32, i32
  }
  func.func @transform_4(%arg0: i32) -> (i32, i32) {
    %c0_i32 = arith.constant 0 : i32
    %c0_i32_0 = arith.constant 0 : i32
    return %arg0, %c0_i32 : i32, i32
  }
}

module attributes {stable_mosaic.version = 14 : i64} {
  func.func @_final_body(%arg0: i32, %arg1: memref<2x2000x128xf32, #tpu.memory_space<vmem>>, %arg2: memref<2x2000x128xf32, #tpu.memory_space<vmem>>, %arg3: memref<1x128xf32, #tpu.memory_space<vmem>>, %arg4: memref<2000x128xf32, #tpu.memory_space<vmem>>) attributes {dimension_semantics = [#tpu.dimension_semantics<arbitrary>], iteration_bounds = array<i64: 5>, scalar_prefetch = 0 : i64, scratch_operands = 0 : i64, tpu.core_type = #tpu.core_type<tc>, window_params = [{transform_indices = @transform_0, window_bounds = array<i64: 2, 2000, 128>}, {transform_indices = @transform_1, window_bounds = array<i64: 2, 2000, 128>}, {pipeline_mode = #tpu.pipeline_mode<synchronous>, transform_indices = @transform_2, window_bounds = array<i64: 1, 128>}, {transform_indices = @transform_3, window_bounds = array<i64: 2000, 128>}]} {
    %get3A = arith.constant 0 : index
    %get3A_0 = arith.constant 0 : index
    %get3A_1 = arith.constant 0 : index
    %get3A_2 = vector.load %arg1[%get3A, %get3A_0, %get3A_1] : memref<2x2000x128xf32, #tpu.memory_space<vmem>>, vector<1x2000x128xf32>
    %get3A_3 = vector.shape_cast %get3A_2 : vector<1x2000x128xf32> to vector<2000x128xf32>
    %get3A_4 = arith.constant 1 : index
    %get3A_5 = arith.constant 0 : index
    %get3A_6 = arith.constant 0 : index
    %get3A_7 = vector.load %arg1[%get3A_4, %get3A_5, %get3A_6] : memref<2x2000x128xf32, #tpu.memory_space<vmem>>, vector<1x2000x128xf32>
    %get3A_8 = vector.shape_cast %get3A_7 : vector<1x2000x128xf32> to vector<2000x128xf32>
    %add3A = arith.addf %get3A_3, %get3A_8 : vector<2000x128xf32>
    %get3A_9 = arith.constant 0 : index
    %get3A_10 = arith.constant 0 : index
    %get3A_11 = arith.constant 0 : index
    %get3A_12 = vector.load %arg2[%get3A_9, %get3A_10, %get3A_11] : memref<2x2000x128xf32, #tpu.memory_space<vmem>>, vector<1x2000x1xf32>
    %get3A_13 = vector.shape_cast %get3A_12 : vector<1x2000x1xf32> to vector<2000x1xf32>
    %get3A_14 = arith.constant 1 : index
    %get3A_15 = arith.constant 0 : index
    %get3A_16 = arith.constant 0 : index
    %get3A_17 = vector.load %arg2[%get3A_14, %get3A_15, %get3A_16] : memref<2x2000x128xf32, #tpu.memory_space<vmem>>, vector<1x2000x1xf32>
    %get3A_18 = vector.shape_cast %get3A_17 : vector<1x2000x1xf32> to vector<2000x1xf32>
    %add3A_19 = arith.addf %get3A_13, %get3A_18 : vector<2000x1xf32>
    %max3A = arith.constant 1.000000e+00 : f32
    %max3A_20 = vector.broadcast %max3A : f32 to vector<2000x1xf32>
    %max3A_21 = arith.maximumf %add3A_19, %max3A_20 : vector<2000x1xf32>
    %div3A = arith.constant 1.000000e+00 : f32
    %div3A_22 = vector.broadcast %div3A : f32 to vector<2000x1xf32>
    %div3A_23 = arith.divf %div3A_22, %max3A_21 : vector<2000x1xf32>
    %mul3A = vector.broadcast %div3A_23 : vector<2000x1xf32> to vector<2000x128xf32>
    %mul3A_24 = arith.mulf %add3A, %mul3A : vector<2000x128xf32>
    %get3A_25 = arith.constant 0 : index
    %get3A_26 = arith.constant 0 : index
    %get3A_27 = vector.load %arg3[%get3A_25, %get3A_26] : memref<1x128xf32, #tpu.memory_space<vmem>>, vector<1x128xf32>
    %add3A_28 = vector.broadcast %get3A_27 : vector<1x128xf32> to vector<2000x128xf32>
    %add3A_29 = arith.addf %mul3A_24, %add3A_28 : vector<2000x128xf32>
    %mul3A_30 = arith.mulf %add3A_29, %add3A_29 : vector<2000x128xf32>
    %reduce_sum3A = arith.constant dense<0.000000e+00> : vector<2000xf32>
    %reduce_sum3A_31 = vector.multi_reduction <add>, %mul3A_30, %reduce_sum3A [1] : vector<2000x128xf32> to vector<2000xf32>
    %broadcast_in_dim3A = vector.shape_cast %reduce_sum3A_31 : vector<2000xf32> to vector<2000x1xf32>
    %sqrt3A = math.sqrt %broadcast_in_dim3A : vector<2000x1xf32>
    %max3A_32 = arith.constant 9.99999996E-13 : f32
    %max3A_33 = vector.broadcast %max3A_32 : f32 to vector<2000x1xf32>
    %max3A_34 = arith.maximumf %sqrt3A, %max3A_33 : vector<2000x1xf32>
    %div3A_35 = vector.broadcast %max3A_34 : vector<2000x1xf32> to vector<2000x128xf32>
    %div3A_36 = arith.divf %add3A_29, %div3A_35 : vector<2000x128xf32>
    %swap3A = arith.constant 0 : index
    %swap3A_37 = arith.constant 0 : index
    %swap3A_38 = vector.load %arg4[%swap3A, %swap3A_37] : memref<2000x128xf32, #tpu.memory_space<vmem>>, vector<2000x128xf32>
    tpu.vector_store %arg4[%swap3A, %swap3A_37], %div3A_36 {strides = array<i32>} : memref<2000x128xf32, #tpu.memory_space<vmem>>, vector<2000x128xf32>,
    return
  }
  func.func @transform_0(%arg0: i32) -> (i32, i32, i32) {
    %c0_i32 = arith.constant 0 : i32
    %c0_i32_0 = arith.constant 0 : i32
    %c0_i32_1 = arith.constant 0 : i32
    return %c0_i32, %arg0, %c0_i32_0 : i32, i32, i32
  }
  func.func @transform_1(%arg0: i32) -> (i32, i32, i32) {
    %c0_i32 = arith.constant 0 : i32
    %c0_i32_0 = arith.constant 0 : i32
    %c0_i32_1 = arith.constant 0 : i32
    return %c0_i32, %arg0, %c0_i32_0 : i32, i32, i32
  }
  func.func @transform_2(%arg0: i32) -> (i32, i32) {
    %c0_i32 = arith.constant 0 : i32
    %c0_i32_0 = arith.constant 0 : i32
    %c0_i32_1 = arith.constant 0 : i32
    return %c0_i32, %c0_i32_0 : i32, i32
  }
  func.func @transform_3(%arg0: i32) -> (i32, i32) {
    %c0_i32 = arith.constant 0 : i32
    %c0_i32_0 = arith.constant 0 : i32
    return %arg0, %c0_i32 : i32, i32
  }
}

</mosaic_0001>

<sc_bundles>
// kernel: kernel.11.cloned.1.call-start
scs
__scs_entry_jumppad:
0x0: {  	(pc) =	sbr.rel $0x88, $3  }
0x1: {  	(tag) =	ssettag $0x0;
	lr =	simm.s32 $0x1  }
0x2: {  	[smem:$0x3F9B] =	sst lr;
	_ =	strace $0xD0000000  }
0x3: {  	_ = 	snop  }
0x4: {  	_ = 	snop  }
0x5: {  	_ = 	snop  }
0x6: {  	_ = 	snop  }
0x7: {  	_ = 	snop  }
__scs_overlays_trampoline_lowered:
0x8: {  	[smem:$0x3FAA] =	sst s0  }
0x9: {  	[smem:$0x3FAB] =	sst s1  }
0xa: {  	[smem:$0x3FAC] =	sst s2  }
0xb: {  	[smem:$0x3FAD] =	sst s3  }
0xc: {  	[smem:$0x3FAE] =	sst s4  }
0xd: {  	[smem:$0x3FAF] =	sst s5  }
0xe: {  	[smem:$0x3FB0] =	sst s6  }
0xf: {  	[smem:$0x3FB1] =	sst s7  }
0x10: {  	[smem:$0x3FB2] =	sst s8  }
0x11: {  	[smem:$0x3FB3] =	sst s9;
	s0 =	simm.s32 @!p0 $0x0  }
0x12: {  	s1 =	sld [smem:$0x3F99];
	s0 =	simm.s32 @p0 $0x1  }
0x13: {  	[smem:$0x3FB4] =	sst s0;
	s0 =	simm.s32 @!p1 $0x0  }
0x14: {  	s2 =	sld [smem:$0x3F98];
	s0 =	simm.s32 @p1 $0x1  }
0x15: {  	[smem:$0x3FB5] =	sst s0;
	s0 =	simm.s32 @!p2 $0x0  }
0x16: {  	s3 =	sld [smem:$0x3FDB];
	s0 =	simm.s32 @p2 $0x1  }
0x17: {  	s4 =	simm.s32 $0x1BF5;
	[smem:$0x3FB7] =	sst s0  }
0x18: {  	s0 =	sld [smem:$0x3F9A];
	_ =	swait.ge [sflag:s4], $0x0  }
0x19: {  	s7 =	sld [smem:$0x3F9B]  }
0x1a: {  	s8 =	sadd.s32 $0xFFFFE003, lr  }
0x1b: {  	s9 =	sadd.s32 $0xFFFFFEF7, lr;
	s5 =	simm.s32 $0xFFFFFFFF;
	p2 =	slt.u32 s8, $0xFFFFF086  }
0x1c: {  	p1 =	slt.u32 s9, $0xF7A;
	s5 =	simm.s32 @!p2 $0x0  }
0x1d: {  	s5 =	simm.s32 @p1 $0x1;
	p0 =	seq.s32 s7, s2  }
0x1e: {  	s7 =	smul.u32 @!p0 $0xF7A, s2;
	p2 =	seq.s32 @!p0 s5, $0x0  }
0x1f: {  	s9 =	smul.u32 $0xF7A, s1;
	s8 =	simm.s32 @!p0 $0x1BF5;
	p2 =	por !p2, p0  }
0x20: {  	[sflag:s8] =	ssyncset.s32 @!p0 $0xFFFFF086;
	s6 =	sadd.s32 @!p0 s3, s7;
	s7 =	simm.s32 @!p0 $0x108  }
0x21: {  	s3 =	sadd.s32 s3, s9;
	s6 =	sadd.s32 @!p0 $0x88, s6;
	s7 =	simm.s32 @p2 $0x1082  }
0x22: {  	[simem:s7], [sflag:s8] =	dma.local @!p0 [hbm:s6], $0xF7A  }
0x23: {  	s9 =	sor.u32 $0xD0000000, s2;
	s6 =	simm.s32 $0x108;
	_ =	swait.ge @!p0 [sflag:s8], $0x0  }
0x24: {  	s3 =	sadd.s32 $0x88, s3;
	s6 =	simm.s32 @!p1 $0x1082;
	[sflag:s4] =	ssyncset.s32 $0xFFFFF086  }
0x25: {  	[simem:s6], [sflag:s4] =	dma.local [hbm:s3], $0xF7A  }
0x26: {  	[smem:$0x3F9B] =	sst s1;
	(tag) =	ssettag s2;
	_ =	strace s9  }
0x27: {  	s1 =	sld [smem:$0x3FAB]  }
0x28: {  	s2 =	sld [smem:$0x3FAC]  }
0x29: {  	s4 =	sld [smem:$0x3FAE]  }
0x2a: {  	p0 =	seq.s32 s5, $0x0;
	s5 =	sld [smem:$0x3FAF]  }
0x2b: {  	s6 =	sld [smem:$0x3FB0]  }
0x2c: {  	s7 =	sld [smem:$0x3FB1]  }
0x2d: {  	s3 =	simm.s32 $0x108;
	s8 =	sld [smem:$0x3FB2]  }
0x2e: {  	s3 =	simm.s32 @!p0 $0x1082;
	s9 =	sld [smem:$0x3FB3]  }
0x2f: {  	lr =	sadd.s32 s0, s3;
	s0 =	sld [smem:$0x3FAA]  }
0x30: {  	s3 =	sld [smem:$0x3FAD]  }
0x31: {  	[smem:$0x3FB6] =	sst s10  }
0x32: {  	s10 =	sld [smem:$0x3FB4];
	_ =	sdelay $0x3  }
0x33: {  	p0 =	seq.s32 s10, $0x1;
	s10 =	sld [smem:$0x3FB6];
	_ =	sdelay $0x3  }
0x34: {  	[smem:$0x3FB6] =	sst s10  }
0x35: {  	s10 =	sld [smem:$0x3FB5];
	_ =	sdelay $0x3  }
0x36: {  	p1 =	seq.s32 s10, $0x1;
	s10 =	sld [smem:$0x3FB6];
	_ =	sdelay $0x3  }
0x37: {  	[smem:$0x3FB6] =	sst s10  }
0x38: {  	s10 =	sld [smem:$0x3FB7]  }
0x39: {  	_ = 	snop;
	(pc) =	sbr.ind lr, $3  }
0x3a: {  	_ = 	snop  }
0x3b: {  	_ = 	snop  }
0x3c: {  	p2 =	seq.s32 s10, $0x1;
	s10 =	sld [smem:$0x3FB6]  }
0x3d: {  	_ =	shalt  }
0x3e: {  	_ =	shalt  }
0x3f: {  	_ =	shalt  }
0x40: {  	_ =	shalt  }
0x41: {  	_ =	shalt  }
0x42: {  	_ =	shalt  }
0x43: {  	_ =	shalt  }
0x44: {  	_ =	shalt  }
0x45: {  	_ =	shalt  }
0x46: {  	_ =	shalt  }
0x47: {  	_ =	shalt  }
0x48: {  	_ =	shalt  }
0x49: {  	_ =	shalt  }
0x4a: {  	_ =	shalt  }
0x4b: {  	_ =	shalt  }
0x4c: {  	_ =	shalt  }
0x4d: {  	_ =	shalt  }
0x4e: {  	_ =	shalt  }
0x4f: {  	_ =	shalt  }
0x50: {  	_ =	shalt  }
0x51: {  	_ =	shalt  }
0x52: {  	_ =	shalt  }
0x53: {  	_ =	shalt  }
0x54: {  	_ =	shalt  }
0x55: {  	_ =	shalt  }
0x56: {  	_ =	shalt  }
0x57: {  	_ =	shalt  }
0x58: {  	_ =	shalt  }
0x59: {  	_ =	shalt  }
0x5a: {  	_ =	shalt  }
0x5b: {  	_ =	shalt  }
0x5c: {  	_ =	shalt  }
0x5d: {  	_ =	shalt  }
0x5e: {  	_ =	shalt  }
0x5f: {  	_ =	shalt  }
0x60: {  	_ =	shalt  }
0x61: {  	_ =	shalt  }
0x62: {  	_ =	shalt  }
0x63: {  	_ =	shalt  }
0x64: {  	_ =	shalt  }
0x65: {  	_ =	shalt  }
0x66: {  	_ =	shalt  }
0x67: {  	_ =	shalt  }
0x68: {  	_ =	shalt  }
0x69: {  	_ =	shalt  }
0x6a: {  	_ =	shalt  }
0x6b: {  	_ =	shalt  }
0x6c: {  	_ =	shalt  }
0x6d: {  	_ =	shalt  }
0x6e: {  	_ =	shalt  }
0x6f: {  	_ =	shalt  }
0x70: {  	_ =	shalt  }
0x71: {  	_ =	shalt  }
0x72: {  	_ =	shalt  }
0x73: {  	_ =	shalt  }
0x74: {  	_ =	shalt  }
0x75: {  	_ =	shalt  }
0x76: {  	_ =	shalt  }
0x77: {  	_ =	shalt  }
0x78: {  	_ =	shalt  }
0x79: {  	_ =	shalt  }
0x7a: {  	_ =	shalt  }
0x7b: {  	_ =	shalt  }
0x7c: {  	_ =	shalt  }
0x7d: {  	_ =	shalt  }
0x7e: {  	_ =	shalt  }
0x7f: {  	_ =	shalt  }
0x80: {  	_ =	shalt  }
0x81: {  	_ =	shalt  }
0x82: {  	_ =	shalt  }
0x83: {  	_ =	shalt  }
0x84: {  	_ =	shalt  }
0x85: {  	_ =	shalt  }
0x86: {  	_ =	shalt  }
0x87: {  	_ =	shalt  }
.Lfunc_end0:
.L_simem_size_0:
called_computation.1_lowered:
.L_overlay_start_0:
0x88: {  	s2 =	sld [smem:$0x3FD9]  }
0x89: {  	s3 =	sld [smem:$0x3FFE];
	_ =	sdelay $0x1  }
0x8a: {  	s1 =	srdreg.scid  }
0x8b: {  	s0 =	sand.u32 $0x1, s1  }
0x8c: {  	s17 =	sshll.u32 s0, $0xA;
	s2 =	sadd.s32 s3, s2  }
0x8d: {  	s2 =	sadd.s32 s2, s17  }
0x8e: {  	[smem:$0x3FC2] =	sst s2  }
0x8f: {  	_ = 	snop  }
0x90: {  	s2 =	sld [smem:$0x3FD0];
	(tm) =	ssettm $0x1  }
0x91: {  	s18 =	sld [smem:$0x3FFB];
	_ =	sdelay $0x3  }
0x92: {  	_ =	strace s18  }
0x93: {  	s3 =	sld [smem:$0x3FFC];
	_ =	sdelay $0x3  }
0x94: {  	_ =	strace s3  }
0x95: {  	s3 =	sld [smem:$0x3FFD];
	_ =	sdelay $0x3  }
0x96: {  	_ =	strace s3  }
0x97: {  	_ =	strace $0x8FFFFFFF  }
0x98: {  	s19 =	sld [smem:$0x3FDB];
	_ =	sdelay $0x1  }
0x99: {  	s4 =	simm.s32 $_scs_section_size  }
0x9a: {  	s5 =	simm.s32 $_size__tile_overlayer_lowered;
	s6 =	simm.s32 $_tile_overlayer_lowered  }
0x9b: {  	s22 =	simm.s32 $0x1BFF;
	s21 =	sshll.u32 s6, $0x1;
	s3 =	sadd.s32 s4, s19  }
0x9c: {  	s7 =	simm.s32 $0x0;
	s20 =	sshll.u32 s5, $0x1;
	s5 =	sadd.s32 s21, s3  }
0x9d: {  	[timem:s7], [sflag:s22] =	dma.local [hbm:s5], s20  }
0x9e: {  	_ =	swait.ge [sflag:s22], s20  }
0x9f: {  	s4 =	ssub.s32 $0x0, s20;
	[sflag:s22] =	ssyncset.done $0x0  }
0xa0: {  	[sflag:s22] =	ssyncadd.s32 s4;
	_ =	sdelay $0x1  }
0xa1: {  	s23 =	simm.s32 $0x1B8B  }
0xa2: {  	_ =	swait.ge [sflag:s23], $0x1  }
0xa3: {  	[sflag:s23] =	ssyncset.done $0x0  }
0xa4: {  	s25 =	simm.s32 $0x1B8E;
	s24 =	sld [smem:$0x3FFE];
	[sflag:s23] =	ssyncadd.s32 $0xFFFFFFFF  }
0xa5: {  	s26 =	simm.s32 $execute0_lowered;
	[smem:$0x3FD2] =	sst s25  }
0xa6: {  	s5 =	sshll.u32 s26, $0x1;
	_ =	strace $0x80000049;
	[dreg:$0x1] =	wrdreg $0xFFFFFFFF  }
0xa7: {  	s28 =	simm.s32 $_size_execute0_lowered;
	s3 =	sadd.s32 s3, s5;
	[dreg:$0x0] =	wrdreg $0x0  }
0xa8: {  	s5 =	sshll.u32 s28, $0x1;
	[dreg:$0x2] =	wrdreg s3  }
0xa9: {  	[dreg:$0x3] =	wrdreg s5  }
0xaa: {  	[dreg:$0x4] =	wrdreg $0xC0  }
0xab: {  	_ =	task [dreg:s7], $0x5FFFF  }
0xac: {  	[dreg:$0x1] =	wrdreg $0xFFFFFFFF  }
0xad: {  	[dreg:$0x0] =	wrdreg $0x60  }
0xae: {  	[dreg:$0x2] =	wrdreg s24  }
0xaf: {  	[dreg:$0x3] =	wrdreg s2  }
0xb0: {  	[dreg:$0x4] =	wrdreg $0xB8000  }
0xb1: {  	[dreg:$0x5] =	wrdreg $0x9  }
0xb2: {  	_ =	task.clear_ibuf [dreg:s7], $0x6FFFF;
	_ =	strace $0x90000049  }
0xb3: {  	s29 =	simm.s32 $0x9;
	_ =	strace $0x8000004B  }
0xb4: {  	_ =	swait.ge [sflag:s29], $0x1  }
0xb5: {  	[sflag:s29] =	ssyncadd.s32 $0xFFFFFFFF  }
0xb6: {  	_ =	strace $0x9000004B  }
0xb7: {  	_ =	sfence  }
0xb8: {  	s30 =	sld [smem:$0x0];
	_ =	sdelay $0x2  }
0xb9: {  	s31 =	sshll.u32 s1, $0xD;
	s1 =	sshrl.u32 s1, $0x2  }
0xba: {  	s3 =	sand.u32 $0x4000, s31;
	s1 =	sadd.s32 s1, s30  }
0xbb: {  	s0 =	sor.u32 s3, s0;
	s1 =	sshll.u32 s1, $0x11  }
0xbc: {  	s0 =	sor.u32 s1, s0  }
0xbd: {  	s0 =	sadd.s32 $0x8F2B, s0  }
0xbe: {  	[sflag:s0] =	ssyncadd.remote.s32 $0x1  }
0xbf: {  	_ =	sfence.sel $0xFFFF  }
0xc0: {  	[dreg:$0x0] =	wrdreg $0xFFFFFFFF;
	(pc) =	sbr.abs _section_cstart, $3  }
0xc1: {  	[dreg:$0x1] =	wrdreg $0xFFFFFFFF  }
0xc2: {  	_ =	task.clear_ibuf [dreg:s7], $0x2FFFF;
	_ =	strace $0x9FFFFFFF  }
0xc3: {  	(tm) =	ssettm $0x7FFFFFFF  }
tec
execute0_lowered:
.L_overlay_start_1:
0x0: {  	(tag) =	ssettag $0x1  }
0x1: {  	s5 =	rddreg [dreg:$0x0]  }
0x2: {  	s7 =	rddreg [dreg:$0x1]  }
0x3: {  	s2 =	rddreg [dreg:$0x2]  }
0x4: {  	s0 =	rddreg [dreg:$0x3]  }
0x5: {  	s1 =	stileid.u32;
	s4 =	srdreg.scid  }
0x6: {  	s3 =	simm.s32 $0x0;
	s14 =	simm.s32 $0x1;
	s15 =	simm.s32 $0x0  }
0x7: {  	s6 =	smul.u32 $0x13C00, s1;
	s8 =	sand.u32 $0x1, s4;
	[smem:$0x7FF] =	sst s3  }
0x8: {  	s4 =	sadd.s32 $0x79400, s5;
	s12 =	smul.u32 $0x4F000, s1;
	s30 =	sshll.u32 s1, $0x6  }
0x9: {  	s9 =	smul.u32 $0x13C000, s8;
	_ =	strace $0x8000004A;
	s26 =	ssub.s32 $0x2, s8  }
0xa: {  	s8 =	sshll.u32 s8, $0x4;
	s10 =	sshrl.u32 s6, $0x3;
	s11 =	sshrl.u32 s26, $0x1  }
0xb: {  	s28 =	sor.u32 s1, s8;
	s29 =	sshrl.u32 s12, $0x2;
	s6 =	sadd.s32 s6, s9  }
0xc: {  	s25 =	sadd.s32 s10, s5;
	s10 =	ssub.s32 s26, s11;
	s31 =	smul.u32 $0x500, s28  }
0xd: {  	s12 =	sadd.s32 s29, s2;
	s11 =	simm.s32 $0x2;
	s6 =	sshrl.u32 s6, $0x3  }
0xe: {  	s9 =	smax.u32 s10, $0x1;
	s10 =	sshrl.u32 s12, $0x3;
	s12 =	simm.s32 $0x80  }
0xf: {  	s13 =	sadd.s32 s6, s5;
	s5 =	sadd.s32 $0x2C00, s25;
	s6 =	sor.u32 $0x1C02, s30  }
0x10: {  	s7 =	sadd.s32 s7, s31;
	s8 =	sadd.s32 $0xA0C00, s13;
	s13 =	simm.s32 $0x7800  }
.LBB2_1:
0x11: {  	[spmem:s10], [sflag:s6] =	dma.local [hbm:s5], $0x2780  }
0x12: {  	_ =	swait.ge [sflag:s11], $0x2780  }
0x13: {  	[sflag:s11] =	ssyncset.done $0x0  }
0x14: {  	[sflag:s11] =	ssyncadd.s32 $0xFFFFD880  }
0x15: {  	[tilespmem:s3], [sflag:$0x2] =	stream.linear.gather [hbm4b:s7+s3], $0x2780, $0x38;
	[tilespmem:$0x1F400] =	vst v63  }
0x16: {  	_ =	swait.ge [sflag:s11], $0x2780  }
0x17: {  	[sflag:s11] =	ssyncset.done $0x0  }
0x18: {  	s16 =	simm.s32 $0x0;
	[sflag:s11] =	ssyncadd.s32 $0xFFFFD880  }
0x19: {  	v0 =	vld [tilespmem:s16+$0x70]  }
0x1a: {  	v1 =	vld [tilespmem:s16+$0x0];
	_ =	sdelay $0x1  }
0x1b: {  	v2 =	vld [tilespmem:s16+$0x10]  }
0x1c: {  	v5 =	vld [tilespmem:s16+$0x40]  }
0x1d: {  	v6 =	vand.u32 $0xFFFF, v0  }
0x1e: {  	v3 =	vld [tilespmem:s16+$0x20];
	v8 =	vshrl.u32 v1, $0x10;
	[tilespmem:s16+$0x5070] =	vst v6  }
0x1f: {  	v1 =	vand.u32 $0xFFFF, v1;
	[tilespmem:s16+$0x2800] =	vst v8  }
0x20: {  	v4 =	vld [tilespmem:s16+$0x30];
	v62 =	vshrl.u32 v2, $0x10;
	[tilespmem:s16+$0x5000] =	vst v1  }
0x21: {  	v7 =	vld [tilespmem:s16+$0x50];
	v63 =	vshrl.u32 v5, $0x10;
	[tilespmem:s16+$0x2810] =	vst v62  }
0x22: {  	v6 =	vld [tilespmem:s16+$0x60];
	v1 =	vand.u32 $0xFFFF, v2;
	[tilespmem:s16+$0x2840] =	vst v63  }
0x23: {  	v2 =	vshrl.u32 v3, $0x10;
	[tilespmem:s16+$0x5010] =	vst v1  }
0x24: {  	v1 =	vand.u32 $0xFFFF, v3;
	[tilespmem:s16+$0x2820] =	vst v2  }
0x25: {  	v0 =	vshrl.u32 v0, $0x10;
	v2 =	vshrl.u32 v4, $0x10;
	[tilespmem:s16+$0x5020] =	vst v1  }
0x26: {  	v5 =	vand.u32 $0xFFFF, v5;
	v3 =	vand.u32 $0xFFFF, v7;
	v1 =	vand.u32 $0xFFFF, v4;
	[tilespmem:s16+$0x2830] =	vst v2  }
0x27: {  	s17 =	simm.s32 $0x80;
	s18 =	simm.s32 $0x400;
	v4 =	vshrl.u32 v7, $0x10;
	[tilespmem:s16+$0x5030] =	vst v1;
	v2 =	vshrl.u32 v6, $0x10;
	v1 =	vand.u32 $0xFFFF, v6  }
.LBB2_2:
0x28: {  	p0 =	sne.s32 s18, $0x9C00;
	v6 =	vld [tilespmem:s17+$0x70];
	[tilespmem:s16+$0x5040] =	vst v5  }
0x29: {  	v5 =	vld [tilespmem:s17+$0x0];
	[tilespmem:s16+$0x2850] =	vst v4  }
0x2a: {  	v4 =	vld [tilespmem:s17+$0x10];
	[tilespmem:s16+$0x5050] =	vst v3  }
0x2b: {  	v3 =	vld [tilespmem:s17+$0x20];
	[tilespmem:s16+$0x2860] =	vst v2  }
0x2c: {  	v2 =	vld [tilespmem:s17+$0x30];
	[tilespmem:s16+$0x5060] =	vst v1  }
0x2d: {  	v1 =	vld [tilespmem:s17+$0x40];
	v7 =	vand.u32 $0xFFFF, v6;
	[tilespmem:s16+$0x2870] =	vst v0;
	v0 =	vshrl.u32 v6, $0x10;
	s16 =	smov.u32 s17  }
0x2e: {  	v6 =	vshrl.u32 v5, $0x10;
	v5 =	vand.u32 $0xFFFF, v5;
	v8 =	vld [tilespmem:s16+$0x50];
	[tilespmem:s16+$0x5070] =	vst v7  }
0x2f: {  	[tilespmem:s16+$0x2800] =	vst v6;
	v6 =	vshrl.u32 v4, $0x10;
	v4 =	vand.u32 $0xFFFF, v4;
	v7 =	vld [tilespmem:s16+$0x60]  }
0x30: {  	[tilespmem:s16+$0x5000] =	vst v5;
	v9 =	vshrl.u32 v3, $0x10;
	v10 =	vand.u32 $0xFFFF, v3  }
0x31: {  	[tilespmem:s16+$0x2810] =	vst v6;
	v6 =	vshrl.u32 v2, $0x10;
	v11 =	vand.u32 $0xFFFF, v2  }
0x32: {  	[tilespmem:s16+$0x5010] =	vst v4;
	v12 =	vshrl.u32 v1, $0x10;
	v5 =	vand.u32 $0xFFFF, v1  }
.Ltmp0:
0x33: {  	[tilespmem:s16+$0x2820] =	vst v9;
	v4 =	vshrl.u32 v8, $0x10;
	v3 =	vand.u32 $0xFFFF, v8;
	(pc) =	sbr.rel @p0 .LBB2_2-.Ltmp0, $4  }
0x34: {  	[tilespmem:s16+$0x5020] =	vst v10;
	v2 =	vshrl.u32 v7, $0x10;
	v1 =	vand.u32 $0xFFFF, v7  }
0x35: {  	[tilespmem:s16+$0x2830] =	vst v6  }
0x36: {  	[tilespmem:s16+$0x5030] =	vst v11  }
0x37: {  	s17 =	sshra.s32 s18, $0x2;
	s18 =	sadd.s32 $0x200, s18;
	[tilespmem:s16+$0x2840] =	vst v12  }
0x38: {  	v6 =	vld [tilespmem:s17+$0x70];
	[tilespmem:s16+$0x5040] =	vst v5  }
0x39: {  	v5 =	vld [tilespmem:s17+$0x0];
	[tilespmem:s16+$0x2850] =	vst v4  }
0x3a: {  	v4 =	vld [tilespmem:s17+$0x10];
	[tilespmem:s16+$0x5050] =	vst v3  }
0x3b: {  	v3 =	vld [tilespmem:s17+$0x20];
	[tilespmem:s16+$0x2860] =	vst v2  }
0x3c: {  	v2 =	vld [tilespmem:s17+$0x30];
	[tilespmem:s16+$0x5060] =	vst v1  }
0x3d: {  	v1 =	vld [tilespmem:s17+$0x40];
	[tilespmem:s16+$0x2870] =	vst v0;
	v48 =	vand.u32 $0xFFFF, v6  }
0x3e: {  	v63 =	vshrl.u32 v6, $0x10;
	[tilespmem:s17+$0x5070] =	vst v48  }
0x3f: {  	v8 =	vshrl.u32 v5, $0x10;
	[tilespmem:s17+$0x2870] =	vst v63  }
0x40: {  	v49 =	vand.u32 $0xFFFF, v5;
	[tilespmem:s17+$0x2800] =	vst v8  }
0x41: {  	v51 =	vshrl.u32 v4, $0x10;
	[tilespmem:s17+$0x5000] =	vst v49  }
0x42: {  	v52 =	vand.u32 $0xFFFF, v4;
	[tilespmem:s17+$0x2810] =	vst v51  }
0x43: {  	v53 =	vshrl.u32 v3, $0x10;
	[tilespmem:s17+$0x5010] =	vst v52  }
0x44: {  	v7 =	vld [tilespmem:s17+$0x50];
	v54 =	vand.u32 $0xFFFF, v3;
	[tilespmem:s17+$0x2820] =	vst v53  }
0x45: {  	v55 =	vshrl.u32 v2, $0x10;
	[tilespmem:s17+$0x5020] =	vst v54  }
0x46: {  	v50 =	vld [tilespmem:s17+$0x60];
	v56 =	vand.u32 $0xFFFF, v2;
	[tilespmem:s17+$0x2830] =	vst v55  }
0x47: {  	v57 =	vshrl.u32 v1, $0x10;
	[tilespmem:s17+$0x5030] =	vst v56  }
0x48: {  	v58 =	vand.u32 $0xFFFF, v1;
	[tilespmem:s17+$0x2840] =	vst v57  }
0x49: {  	v59 =	vshrl.u32 v7, $0x10;
	[tilespmem:s17+$0x5040] =	vst v58  }
0x4a: {  	v60 =	vand.u32 $0xFFFF, v7;
	[tilespmem:s17+$0x2850] =	vst v59  }
0x4b: {  	v61 =	vshrl.u32 v50, $0x10;
	[tilespmem:s17+$0x5050] =	vst v60  }
0x4c: {  	v62 =	vand.u32 $0xFFFF, v50;
	[tilespmem:s17+$0x2860] =	vst v61  }
0x4d: {  	[tilespmem:s17+$0x5060] =	vst v62  }
0x4e: {  	s30 =	simm.s32 $0x5000;
	[bflag:$0x0] =	sbarrier.arrive $0xFFFF  }
0x4f: {  	[tilespmem:s13], [sflag:$0x1] =	stream.indirect.gather [hbm4b:s4+s12], $0x80, s30, s12, $0xb8;
	[tilespmem:$0x1F400] =	vst v63  }
0x50: {  	_ =	swait.ge [sflag:s14], $0x4000  }
0x51: {  	[sflag:s14] =	ssyncset.done $0x0  }
0x52: {  	s31 =	simm.s32 $0x2800;
	[sflag:s14] =	ssyncadd.s32 $0xFFFFC000  }
0x53: {  	[spmem:s2] =	stream.indirect.scatter.add.f32 [tilespmem:s13], [sflag:$0x2], $0x80, s31, s12, $0xb8;
	[tilespmem:$0x1F400] =	vst v63  }
0x54: {  	_ =	swait.ge [sflag:s11], $0x4000  }
0x55: {  	s16 =	simm.s32 $0x80;
	s17 =	simm.s32 $0x400;
	[sflag:s11] =	ssyncset.done $0x0  }
.LBB2_4:
0x56: {  	s18 =	sadd.s32 $0x5000, s16  }
0x57: {  	[sflag:s11] =	ssyncadd.s32 $0xFFFFC000;
	s19 =	smov.u32 s17;
	s20 =	sadd.s32 $0x200, s17  }
0x58: {  	[tilespmem:s13], [sflag:$0x1] =	stream.indirect.gather [hbm4b:s4+s12], $0x80, s18, s12, $0xb8;
	[tilespmem:$0x1F400] =	vst v63  }
0x59: {  	p0 =	sne.s32 s17, $0x9C00;
	_ =	swait.ge [sflag:s14], $0x4000  }
.Ltmp1:
0x5a: {  	[sflag:s14] =	ssyncset.done $0x0;
	(pc) =	sbr.rel @p0 .LBB2_4-.Ltmp1, $4  }
0x5b: {  	s16 =	sadd.s32 $0x2800, s16;
	[sflag:s14] =	ssyncadd.s32 $0xFFFFC000  }
0x5c: {  	[spmem:s2] =	stream.indirect.scatter.add.f32 [tilespmem:s13], [sflag:$0x2], $0x80, s16, s12, $0xb8;
	[tilespmem:$0x1F400] =	vst v63  }
0x5d: {  	_ =	swait.ge [sflag:s11], $0x4000  }
0x5e: {  	s17 =	smov.u32 s20;
	s16 =	sshra.s32 s19, $0x2;
	[sflag:s11] =	ssyncset.done $0x0  }
0x5f: {  	s17 =	sadd.s32 $0x5000, s16;
	[sflag:s11] =	ssyncadd.s32 $0xFFFFC000  }
0x60: {  	[tilespmem:s13], [sflag:$0x1] =	stream.indirect.gather [hbm4b:s4+s12], $0x80, s17, s12, $0xb8;
	[tilespmem:$0x1F400] =	vst v63  }
0x61: {  	_ =	swait.ge [sflag:s14], $0x4000  }
0x62: {  	[sflag:s14] =	ssyncset.done $0x0  }
0x63: {  	s31 =	sadd.s32 $0x2800, s16;
	[sflag:s14] =	ssyncadd.s32 $0xFFFFC000  }
0x64: {  	[spmem:s2] =	stream.indirect.scatter.add.f32 [tilespmem:s13], [sflag:$0x2], $0x80, s31, s12, $0xb8;
	[tilespmem:$0x1F400] =	vst v63  }
0x65: {  	_ =	swait.ge [sflag:s11], $0x4000  }
0x66: {  	s15 =	sadd.s32 $0x1, s15;
	[sflag:s11] =	ssyncset.done $0x0  }
0x67: {  	p0 =	sne.s32 s15, s9;
	[sflag:s11] =	ssyncadd.s32 $0xFFFFC000  }
.Ltmp2:
0x68: {  	[bflag:$0x0] =	sbarrier.arrive $0xFFFF;
	(pc) =	sbr.rel @p0 .LBB2_1-.Ltmp2, $4  }
0x69: {  	[hbm:s8], [sflag:s6] =	dma.local [spmem:s10], $0x2780  }
0x6a: {  	_ =	swait.ge [sflag:s11], $0x2780  }
0x6b: {  	[sflag:s11] =	ssyncset.done $0x0  }
0x6c: {  	[sflag:s11] =	ssyncadd.s32 $0xFFFFD880  }
0x6d: {  	_ =	sfence.sel $0x180000  }
0x6e: {  	[bflag:$0x0] =	sbarrier.arrive $0xFFFF  }
0x6f: {  	p0 =	sne.s32 s1, $0x0;
	_ =	strace $0x9000004A  }
0x70: {  	s0 =	sadd.s32 @!p0 $0x100000, s0;
	[bflag:$0x2] =	sbarrier.arrive $0xFFFF  }
0x71: {  	[sflag:s0] =	ssyncadd.tile.s32 @!p0 $0x1;
	_ =	shalt  }
.Lfunc_end2:
_tile_overlayer_lowered:
.L_overlay_start_2:
0x72: {  	(tag) =	ssettag $0x2  }
0x73: {  	s0 =	rddreg [dreg:$0x0];
	s2 =	stileid.u32  }
0x74: {  	s1 =	rddreg [dreg:$0x1];
	p0 =	sne.s32 s2, $0x0  }
0x75: {  	s3 =	rddreg [dreg:$0x2];
	[bflag:$0x3] =	sbarrier.arrive $0xFFFF;
	s2 =	simm.s32 @!p0 $0x1C02  }
0x76: {  	[timem:s3], [sflag:s2] =	dma.local @!p0 [hbm:s0], s1  }
0x77: {  	s0 =	simm.s32 @!p0 $0x2  }
0x78: {  	_ =	swait.ge @!p0 [sflag:s0], s1  }
0x79: {  	s1 =	ssub.s32 @!p0 $0x0, s1;
	[sflag:s0] =	ssyncset.done @!p0 $0x0  }
0x7a: {  	[sflag:s0] =	ssyncadd.s32 @!p0 s1  }
0x7b: {  	[bflag:$0x3] =	sbarrier.arrive $0xFFFF  }
0x7c: {  	_ =	shalt  }

// kernel: kernel.14.cloned.1.call-start
scs
__scs_entry_jumppad:
0x0: {  	(pc) =	sbr.rel $0x88, $3  }
0x1: {  	(tag) =	ssettag $0x0;
	lr =	simm.s32 $0x1  }
0x2: {  	[smem:$0x3F9B] =	sst lr;
	_ =	strace $0xD0000000  }
0x3: {  	_ = 	snop  }
0x4: {  	_ = 	snop  }
0x5: {  	_ = 	snop  }
0x6: {  	_ = 	snop  }
0x7: {  	_ = 	snop  }
__scs_overlays_trampoline_lowered:
0x8: {  	[smem:$0x3FAA] =	sst s0  }
0x9: {  	[smem:$0x3FAB] =	sst s1  }
0xa: {  	[smem:$0x3FAC] =	sst s2  }
0xb: {  	[smem:$0x3FAD] =	sst s3  }
0xc: {  	[smem:$0x3FAE] =	sst s4  }
0xd: {  	[smem:$0x3FAF] =	sst s5  }
0xe: {  	[smem:$0x3FB0] =	sst s6  }
0xf: {  	[smem:$0x3FB1] =	sst s7  }
0x10: {  	[smem:$0x3FB2] =	sst s8  }
0x11: {  	[smem:$0x3FB3] =	sst s9;
	s0 =	simm.s32 @!p0 $0x0  }
0x12: {  	s1 =	sld [smem:$0x3F99];
	s0 =	simm.s32 @p0 $0x1  }
0x13: {  	[smem:$0x3FB4] =	sst s0;
	s0 =	simm.s32 @!p1 $0x0  }
0x14: {  	s2 =	sld [smem:$0x3F98];
	s0 =	simm.s32 @p1 $0x1  }
0x15: {  	[smem:$0x3FB5] =	sst s0;
	s0 =	simm.s32 @!p2 $0x0  }
0x16: {  	s3 =	sld [smem:$0x3FDB];
	s0 =	simm.s32 @p2 $0x1  }
0x17: {  	s4 =	simm.s32 $0x1BF5;
	[smem:$0x3FB7] =	sst s0  }
0x18: {  	s0 =	sld [smem:$0x3F9A];
	_ =	swait.ge [sflag:s4], $0x0  }
0x19: {  	s7 =	sld [smem:$0x3F9B]  }
0x1a: {  	s8 =	sadd.s32 $0xFFFFE003, lr  }
0x1b: {  	s9 =	sadd.s32 $0xFFFFFEF7, lr;
	s5 =	simm.s32 $0xFFFFFFFF;
	p2 =	slt.u32 s8, $0xFFFFF086  }
0x1c: {  	p1 =	slt.u32 s9, $0xF7A;
	s5 =	simm.s32 @!p2 $0x0  }
0x1d: {  	s5 =	simm.s32 @p1 $0x1;
	p0 =	seq.s32 s7, s2  }
0x1e: {  	s7 =	smul.u32 @!p0 $0xF7A, s2;
	p2 =	seq.s32 @!p0 s5, $0x0  }
0x1f: {  	s9 =	smul.u32 $0xF7A, s1;
	s8 =	simm.s32 @!p0 $0x1BF5;
	p2 =	por !p2, p0  }
0x20: {  	[sflag:s8] =	ssyncset.s32 @!p0 $0xFFFFF086;
	s6 =	sadd.s32 @!p0 s3, s7;
	s7 =	simm.s32 @!p0 $0x108  }
0x21: {  	s3 =	sadd.s32 s3, s9;
	s6 =	sadd.s32 @!p0 $0x88, s6;
	s7 =	simm.s32 @p2 $0x1082  }
0x22: {  	[simem:s7], [sflag:s8] =	dma.local @!p0 [hbm:s6], $0xF7A  }
0x23: {  	s9 =	sor.u32 $0xD0000000, s2;
	s6 =	simm.s32 $0x108;
	_ =	swait.ge @!p0 [sflag:s8], $0x0  }
0x24: {  	s3 =	sadd.s32 $0x88, s3;
	s6 =	simm.s32 @!p1 $0x1082;
	[sflag:s4] =	ssyncset.s32 $0xFFFFF086  }
0x25: {  	[simem:s6], [sflag:s4] =	dma.local [hbm:s3], $0xF7A  }
0x26: {  	[smem:$0x3F9B] =	sst s1;
	(tag) =	ssettag s2;
	_ =	strace s9  }
0x27: {  	s1 =	sld [smem:$0x3FAB]  }
0x28: {  	s2 =	sld [smem:$0x3FAC]  }
0x29: {  	s4 =	sld [smem:$0x3FAE]  }
0x2a: {  	p0 =	seq.s32 s5, $0x0;
	s5 =	sld [smem:$0x3FAF]  }
0x2b: {  	s6 =	sld [smem:$0x3FB0]  }
0x2c: {  	s7 =	sld [smem:$0x3FB1]  }
0x2d: {  	s3 =	simm.s32 $0x108;
	s8 =	sld [smem:$0x3FB2]  }
0x2e: {  	s3 =	simm.s32 @!p0 $0x1082;
	s9 =	sld [smem:$0x3FB3]  }
0x2f: {  	lr =	sadd.s32 s0, s3;
	s0 =	sld [smem:$0x3FAA]  }
0x30: {  	s3 =	sld [smem:$0x3FAD]  }
0x31: {  	[smem:$0x3FB6] =	sst s10  }
0x32: {  	s10 =	sld [smem:$0x3FB4];
	_ =	sdelay $0x3  }
0x33: {  	p0 =	seq.s32 s10, $0x1;
	s10 =	sld [smem:$0x3FB6];
	_ =	sdelay $0x3  }
0x34: {  	[smem:$0x3FB6] =	sst s10  }
0x35: {  	s10 =	sld [smem:$0x3FB5];
	_ =	sdelay $0x3  }
0x36: {  	p1 =	seq.s32 s10, $0x1;
	s10 =	sld [smem:$0x3FB6];
	_ =	sdelay $0x3  }
0x37: {  	[smem:$0x3FB6] =	sst s10  }
0x38: {  	s10 =	sld [smem:$0x3FB7]  }
0x39: {  	_ = 	snop;
	(pc) =	sbr.ind lr, $3  }
0x3a: {  	_ = 	snop  }
0x3b: {  	_ = 	snop  }
0x3c: {  	p2 =	seq.s32 s10, $0x1;
	s10 =	sld [smem:$0x3FB6]  }
0x3d: {  	_ =	shalt  }
0x3e: {  	_ =	shalt  }
0x3f: {  	_ =	shalt  }
0x40: {  	_ =	shalt  }
0x41: {  	_ =	shalt  }
0x42: {  	_ =	shalt  }
0x43: {  	_ =	shalt  }
0x44: {  	_ =	shalt  }
0x45: {  	_ =	shalt  }
0x46: {  	_ =	shalt  }
0x47: {  	_ =	shalt  }
0x48: {  	_ =	shalt  }
0x49: {  	_ =	shalt  }
0x4a: {  	_ =	shalt  }
0x4b: {  	_ =	shalt  }
0x4c: {  	_ =	shalt  }
0x4d: {  	_ =	shalt  }
0x4e: {  	_ =	shalt  }
0x4f: {  	_ =	shalt  }
0x50: {  	_ =	shalt  }
0x51: {  	_ =	shalt  }
0x52: {  	_ =	shalt  }
0x53: {  	_ =	shalt  }
0x54: {  	_ =	shalt  }
0x55: {  	_ =	shalt  }
0x56: {  	_ =	shalt  }
0x57: {  	_ =	shalt  }
0x58: {  	_ =	shalt  }
0x59: {  	_ =	shalt  }
0x5a: {  	_ =	shalt  }
0x5b: {  	_ =	shalt  }
0x5c: {  	_ =	shalt  }
0x5d: {  	_ =	shalt  }
0x5e: {  	_ =	shalt  }
0x5f: {  	_ =	shalt  }
0x60: {  	_ =	shalt  }
0x61: {  	_ =	shalt  }
0x62: {  	_ =	shalt  }
0x63: {  	_ =	shalt  }
0x64: {  	_ =	shalt  }
0x65: {  	_ =	shalt  }
0x66: {  	_ =	shalt  }
0x67: {  	_ =	shalt  }
0x68: {  	_ =	shalt  }
0x69: {  	_ =	shalt  }
0x6a: {  	_ =	shalt  }
0x6b: {  	_ =	shalt  }
0x6c: {  	_ =	shalt  }
0x6d: {  	_ =	shalt  }
0x6e: {  	_ =	shalt  }
0x6f: {  	_ =	shalt  }
0x70: {  	_ =	shalt  }
0x71: {  	_ =	shalt  }
0x72: {  	_ =	shalt  }
0x73: {  	_ =	shalt  }
0x74: {  	_ =	shalt  }
0x75: {  	_ =	shalt  }
0x76: {  	_ =	shalt  }
0x77: {  	_ =	shalt  }
0x78: {  	_ =	shalt  }
0x79: {  	_ =	shalt  }
0x7a: {  	_ =	shalt  }
0x7b: {  	_ =	shalt  }
0x7c: {  	_ =	shalt  }
0x7d: {  	_ =	shalt  }
0x7e: {  	_ =	shalt  }
0x7f: {  	_ =	shalt  }
0x80: {  	_ =	shalt  }
0x81: {  	_ =	shalt  }
0x82: {  	_ =	shalt  }
0x83: {  	_ =	shalt  }
0x84: {  	_ =	shalt  }
0x85: {  	_ =	shalt  }
0x86: {  	_ =	shalt  }
0x87: {  	_ =	shalt  }
.Lfunc_end0:
.L_simem_size_0:
called_computation.2_lowered:
.L_overlay_start_0:
0x88: {  	s2 =	sld [smem:$0x3FD9]  }
0x89: {  	s3 =	sld [smem:$0x3FFE];
	_ =	sdelay $0x1  }
0x8a: {  	s1 =	srdreg.scid  }
0x8b: {  	s0 =	sand.u32 $0x1, s1  }
0x8c: {  	s17 =	sshll.u32 s0, $0xA;
	s2 =	sadd.s32 s3, s2  }
0x8d: {  	s2 =	sadd.s32 s2, s17  }
0x8e: {  	[smem:$0x3FC2] =	sst s2  }
0x8f: {  	_ = 	snop  }
0x90: {  	s2 =	sld [smem:$0x3FD0];
	(tm) =	ssettm $0x1  }
0x91: {  	s18 =	sld [smem:$0x3FFB];
	_ =	sdelay $0x3  }
0x92: {  	_ =	strace s18  }
0x93: {  	s3 =	sld [smem:$0x3FFC];
	_ =	sdelay $0x3  }
0x94: {  	_ =	strace s3  }
0x95: {  	s3 =	sld [smem:$0x3FFD];
	_ =	sdelay $0x3  }
0x96: {  	_ =	strace s3  }
0x97: {  	_ =	strace $0x8FFFFFFF  }
0x98: {  	s19 =	sld [smem:$0x3FDB];
	_ =	sdelay $0x1  }
0x99: {  	s4 =	simm.s32 $_scs_section_size  }
0x9a: {  	s5 =	simm.s32 $_size__tile_overlayer_lowered;
	s6 =	simm.s32 $_tile_overlayer_lowered  }
0x9b: {  	s22 =	simm.s32 $0x1BFF;
	s21 =	sshll.u32 s6, $0x1;
	s3 =	sadd.s32 s4, s19  }
0x9c: {  	s7 =	simm.s32 $0x0;
	s20 =	sshll.u32 s5, $0x1;
	s5 =	sadd.s32 s21, s3  }
0x9d: {  	[timem:s7], [sflag:s22] =	dma.local [hbm:s5], s20  }
0x9e: {  	_ =	swait.ge [sflag:s22], s20  }
0x9f: {  	s4 =	ssub.s32 $0x0, s20;
	[sflag:s22] =	ssyncset.done $0x0  }
0xa0: {  	[sflag:s22] =	ssyncadd.s32 s4;
	_ =	sdelay $0x1  }
0xa1: {  	s23 =	simm.s32 $0x1B8B  }
0xa2: {  	_ =	swait.ge [sflag:s23], $0x1  }
0xa3: {  	[sflag:s23] =	ssyncset.done $0x0  }
0xa4: {  	s25 =	simm.s32 $0x1B8E;
	s24 =	sld [smem:$0x3FFE];
	[sflag:s23] =	ssyncadd.s32 $0xFFFFFFFF  }
0xa5: {  	s26 =	simm.s32 $execute0_lowered;
	[smem:$0x3FD2] =	sst s25  }
0xa6: {  	s5 =	sshll.u32 s26, $0x1;
	_ =	strace $0x8000004C;
	[dreg:$0x1] =	wrdreg $0xFFFFFFFF  }
0xa7: {  	s28 =	simm.s32 $_size_execute0_lowered;
	s3 =	sadd.s32 s3, s5;
	[dreg:$0x0] =	wrdreg $0x0  }
0xa8: {  	s5 =	sshll.u32 s28, $0x1;
	[dreg:$0x2] =	wrdreg s3  }
0xa9: {  	[dreg:$0x3] =	wrdreg s5  }
0xaa: {  	[dreg:$0x4] =	wrdreg $0xC0  }
0xab: {  	_ =	task [dreg:s7], $0x5FFFF  }
0xac: {  	[dreg:$0x1] =	wrdreg $0xFFFFFFFF  }
0xad: {  	[dreg:$0x0] =	wrdreg $0x60  }
0xae: {  	[dreg:$0x2] =	wrdreg s24  }
0xaf: {  	[dreg:$0x3] =	wrdreg s2  }
0xb0: {  	[dreg:$0x4] =	wrdreg $0xB8000  }
0xb1: {  	[dreg:$0x5] =	wrdreg $0x9  }
0xb2: {  	_ =	task.clear_ibuf [dreg:s7], $0x6FFFF;
	_ =	strace $0x9000004C  }
0xb3: {  	s29 =	simm.s32 $0x9;
	_ =	strace $0x8000004E  }
0xb4: {  	_ =	swait.ge [sflag:s29], $0x1  }
0xb5: {  	[sflag:s29] =	ssyncadd.s32 $0xFFFFFFFF  }
0xb6: {  	_ =	strace $0x9000004E  }
0xb7: {  	_ =	sfence  }
0xb8: {  	s30 =	sld [smem:$0x0];
	_ =	sdelay $0x2  }
0xb9: {  	s31 =	sshll.u32 s1, $0xD;
	s1 =	sshrl.u32 s1, $0x2  }
0xba: {  	s3 =	sand.u32 $0x4000, s31;
	s1 =	sadd.s32 s1, s30  }
0xbb: {  	s0 =	sor.u32 s3, s0;
	s1 =	sshll.u32 s1, $0x11  }
0xbc: {  	s0 =	sor.u32 s1, s0  }
0xbd: {  	s0 =	sadd.s32 $0x8F2B, s0  }
0xbe: {  	[sflag:s0] =	ssyncadd.remote.s32 $0x1  }
0xbf: {  	_ =	sfence.sel $0xFFFF  }
0xc0: {  	[dreg:$0x0] =	wrdreg $0xFFFFFFFF;
	(pc) =	sbr.abs _section_cstart, $3  }
0xc1: {  	[dreg:$0x1] =	wrdreg $0xFFFFFFFF  }
0xc2: {  	_ =	task.clear_ibuf [dreg:s7], $0x2FFFF;
	_ =	strace $0x9FFFFFFF  }
0xc3: {  	(tm) =	ssettm $0x7FFFFFFF  }
tec
execute0_lowered:
.L_overlay_start_1:
0x0: {  	(tag) =	ssettag $0x1  }
0x1: {  	s5 =	rddreg [dreg:$0x0]  }
0x2: {  	s7 =	rddreg [dreg:$0x1]  }
0x3: {  	s2 =	rddreg [dreg:$0x2]  }
0x4: {  	s0 =	rddreg [dreg:$0x3]  }
0x5: {  	s1 =	stileid.u32;
	s4 =	srdreg.scid  }
0x6: {  	s3 =	simm.s32 $0x0;
	s14 =	simm.s32 $0x1;
	s15 =	simm.s32 $0x0  }
0x7: {  	s6 =	smul.u32 $0x13C00, s1;
	s8 =	sand.u32 $0x1, s4;
	[smem:$0x7FF] =	sst s3  }
0x8: {  	s4 =	sadd.s32 $0x79400, s5;
	s12 =	smul.u32 $0x4F000, s1;
	s30 =	sshll.u32 s1, $0x6  }
0x9: {  	s9 =	smul.u32 $0x13C000, s8;
	_ =	strace $0x8000004D;
	s26 =	ssub.s32 $0x2, s8  }
0xa: {  	s8 =	sshll.u32 s8, $0x4;
	s10 =	sshrl.u32 s6, $0x3;
	s11 =	sshrl.u32 s26, $0x1  }
0xb: {  	s28 =	sor.u32 s1, s8;
	s29 =	sshrl.u32 s12, $0x2;
	s6 =	sadd.s32 s6, s9  }
0xc: {  	s25 =	sadd.s32 s10, s5;
	s10 =	ssub.s32 s26, s11;
	s31 =	smul.u32 $0x500, s28  }
0xd: {  	s12 =	sadd.s32 s29, s2;
	s11 =	simm.s32 $0x2;
	s6 =	sshrl.u32 s6, $0x3  }
0xe: {  	s9 =	smax.u32 s10, $0x1;
	s10 =	sshrl.u32 s12, $0x3;
	s12 =	simm.s32 $0x80  }
0xf: {  	s13 =	sadd.s32 s6, s5;
	s5 =	sadd.s32 $0x2C00, s25;
	s6 =	sor.u32 $0x1C02, s30  }
0x10: {  	s7 =	sadd.s32 s7, s31;
	s8 =	sadd.s32 $0xEFC00, s13;
	s13 =	simm.s32 $0x7800  }
.LBB2_1:
0x11: {  	[spmem:s10], [sflag:s6] =	dma.local [hbm:s5], $0x2780  }
0x12: {  	_ =	swait.ge [sflag:s11], $0x2780  }
0x13: {  	[sflag:s11] =	ssyncset.done $0x0  }
0x14: {  	[sflag:s11] =	ssyncadd.s32 $0xFFFFD880  }
0x15: {  	[tilespmem:s3], [sflag:$0x2] =	stream.linear.gather [hbm4b:s7+s3], $0x2780, $0x38;
	[tilespmem:$0x1F400] =	vst v63  }
0x16: {  	_ =	swait.ge [sflag:s11], $0x2780  }
0x17: {  	[sflag:s11] =	ssyncset.done $0x0  }
0x18: {  	s16 =	simm.s32 $0x0;
	[sflag:s11] =	ssyncadd.s32 $0xFFFFD880  }
0x19: {  	v0 =	vld [tilespmem:s16+$0x70]  }
0x1a: {  	v1 =	vld [tilespmem:s16+$0x0];
	_ =	sdelay $0x1  }
0x1b: {  	v2 =	vld [tilespmem:s16+$0x10]  }
0x1c: {  	v5 =	vld [tilespmem:s16+$0x40]  }
0x1d: {  	v6 =	vand.u32 $0xFFFF, v0  }
0x1e: {  	v3 =	vld [tilespmem:s16+$0x20];
	v8 =	vshrl.u32 v1, $0x10;
	[tilespmem:s16+$0x5070] =	vst v6  }
0x1f: {  	v1 =	vand.u32 $0xFFFF, v1;
	[tilespmem:s16+$0x2800] =	vst v8  }
0x20: {  	v4 =	vld [tilespmem:s16+$0x30];
	v62 =	vshrl.u32 v2, $0x10;
	[tilespmem:s16+$0x5000] =	vst v1  }
0x21: {  	v7 =	vld [tilespmem:s16+$0x50];
	v63 =	vshrl.u32 v5, $0x10;
	[tilespmem:s16+$0x2810] =	vst v62  }
0x22: {  	v6 =	vld [tilespmem:s16+$0x60];
	v1 =	vand.u32 $0xFFFF, v2;
	[tilespmem:s16+$0x2840] =	vst v63  }
0x23: {  	v2 =	vshrl.u32 v3, $0x10;
	[tilespmem:s16+$0x5010] =	vst v1  }
0x24: {  	v1 =	vand.u32 $0xFFFF, v3;
	[tilespmem:s16+$0x2820] =	vst v2  }
0x25: {  	v0 =	vshrl.u32 v0, $0x10;
	v2 =	vshrl.u32 v4, $0x10;
	[tilespmem:s16+$0x5020] =	vst v1  }
0x26: {  	v5 =	vand.u32 $0xFFFF, v5;
	v3 =	vand.u32 $0xFFFF, v7;
	v1 =	vand.u32 $0xFFFF, v4;
	[tilespmem:s16+$0x2830] =	vst v2  }
0x27: {  	s17 =	simm.s32 $0x80;
	s18 =	simm.s32 $0x400;
	v4 =	vshrl.u32 v7, $0x10;
	[tilespmem:s16+$0x5030] =	vst v1;
	v2 =	vshrl.u32 v6, $0x10;
	v1 =	vand.u32 $0xFFFF, v6  }
.LBB2_2:
0x28: {  	p0 =	sne.s32 s18, $0x9C00;
	v6 =	vld [tilespmem:s17+$0x70];
	[tilespmem:s16+$0x5040] =	vst v5  }
0x29: {  	v5 =	vld [tilespmem:s17+$0x0];
	[tilespmem:s16+$0x2850] =	vst v4  }
0x2a: {  	v4 =	vld [tilespmem:s17+$0x10];
	[tilespmem:s16+$0x5050] =	vst v3  }
0x2b: {  	v3 =	vld [tilespmem:s17+$0x20];
	[tilespmem:s16+$0x2860] =	vst v2  }
0x2c: {  	v2 =	vld [tilespmem:s17+$0x30];
	[tilespmem:s16+$0x5060] =	vst v1  }
0x2d: {  	v1 =	vld [tilespmem:s17+$0x40];
	v7 =	vand.u32 $0xFFFF, v6;
	[tilespmem:s16+$0x2870] =	vst v0;
	v0 =	vshrl.u32 v6, $0x10;
	s16 =	smov.u32 s17  }
0x2e: {  	v6 =	vshrl.u32 v5, $0x10;
	v5 =	vand.u32 $0xFFFF, v5;
	v8 =	vld [tilespmem:s16+$0x50];
	[tilespmem:s16+$0x5070] =	vst v7  }
0x2f: {  	[tilespmem:s16+$0x2800] =	vst v6;
	v6 =	vshrl.u32 v4, $0x10;
	v4 =	vand.u32 $0xFFFF, v4;
	v7 =	vld [tilespmem:s16+$0x60]  }
0x30: {  	[tilespmem:s16+$0x5000] =	vst v5;
	v9 =	vshrl.u32 v3, $0x10;
	v10 =	vand.u32 $0xFFFF, v3  }
0x31: {  	[tilespmem:s16+$0x2810] =	vst v6;
	v6 =	vshrl.u32 v2, $0x10;
	v11 =	vand.u32 $0xFFFF, v2  }
0x32: {  	[tilespmem:s16+$0x5010] =	vst v4;
	v12 =	vshrl.u32 v1, $0x10;
	v5 =	vand.u32 $0xFFFF, v1  }
.Ltmp0:
0x33: {  	[tilespmem:s16+$0x2820] =	vst v9;
	v4 =	vshrl.u32 v8, $0x10;
	v3 =	vand.u32 $0xFFFF, v8;
	(pc) =	sbr.rel @p0 .LBB2_2-.Ltmp0, $4  }
0x34: {  	[tilespmem:s16+$0x5020] =	vst v10;
	v2 =	vshrl.u32 v7, $0x10;
	v1 =	vand.u32 $0xFFFF, v7  }
0x35: {  	[tilespmem:s16+$0x2830] =	vst v6  }
0x36: {  	[tilespmem:s16+$0x5030] =	vst v11  }
0x37: {  	s17 =	sshra.s32 s18, $0x2;
	s18 =	sadd.s32 $0x200, s18;
	[tilespmem:s16+$0x2840] =	vst v12  }
0x38: {  	v6 =	vld [tilespmem:s17+$0x70];
	[tilespmem:s16+$0x5040] =	vst v5  }
0x39: {  	v5 =	vld [tilespmem:s17+$0x0];
	[tilespmem:s16+$0x2850] =	vst v4  }
0x3a: {  	v4 =	vld [tilespmem:s17+$0x10];
	[tilespmem:s16+$0x5050] =	vst v3  }
0x3b: {  	v3 =	vld [tilespmem:s17+$0x20];
	[tilespmem:s16+$0x2860] =	vst v2  }
0x3c: {  	v2 =	vld [tilespmem:s17+$0x30];
	[tilespmem:s16+$0x5060] =	vst v1  }
0x3d: {  	v1 =	vld [tilespmem:s17+$0x40];
	[tilespmem:s16+$0x2870] =	vst v0;
	v48 =	vand.u32 $0xFFFF, v6  }
0x3e: {  	v63 =	vshrl.u32 v6, $0x10;
	[tilespmem:s17+$0x5070] =	vst v48  }
0x3f: {  	v8 =	vshrl.u32 v5, $0x10;
	[tilespmem:s17+$0x2870] =	vst v63  }
0x40: {  	v49 =	vand.u32 $0xFFFF, v5;
	[tilespmem:s17+$0x2800] =	vst v8  }
0x41: {  	v51 =	vshrl.u32 v4, $0x10;
	[tilespmem:s17+$0x5000] =	vst v49  }
0x42: {  	v52 =	vand.u32 $0xFFFF, v4;
	[tilespmem:s17+$0x2810] =	vst v51  }
0x43: {  	v53 =	vshrl.u32 v3, $0x10;
	[tilespmem:s17+$0x5010] =	vst v52  }
0x44: {  	v7 =	vld [tilespmem:s17+$0x50];
	v54 =	vand.u32 $0xFFFF, v3;
	[tilespmem:s17+$0x2820] =	vst v53  }
0x45: {  	v55 =	vshrl.u32 v2, $0x10;
	[tilespmem:s17+$0x5020] =	vst v54  }
0x46: {  	v50 =	vld [tilespmem:s17+$0x60];
	v56 =	vand.u32 $0xFFFF, v2;
	[tilespmem:s17+$0x2830] =	vst v55  }
0x47: {  	v57 =	vshrl.u32 v1, $0x10;
	[tilespmem:s17+$0x5030] =	vst v56  }
0x48: {  	v58 =	vand.u32 $0xFFFF, v1;
	[tilespmem:s17+$0x2840] =	vst v57  }
0x49: {  	v59 =	vshrl.u32 v7, $0x10;
	[tilespmem:s17+$0x5040] =	vst v58  }
0x4a: {  	v60 =	vand.u32 $0xFFFF, v7;
	[tilespmem:s17+$0x2850] =	vst v59  }
0x4b: {  	v61 =	vshrl.u32 v50, $0x10;
	[tilespmem:s17+$0x5050] =	vst v60  }
0x4c: {  	v62 =	vand.u32 $0xFFFF, v50;
	[tilespmem:s17+$0x2860] =	vst v61  }
0x4d: {  	[tilespmem:s17+$0x5060] =	vst v62  }
0x4e: {  	s30 =	simm.s32 $0x5000;
	[bflag:$0x0] =	sbarrier.arrive $0xFFFF  }
0x4f: {  	[tilespmem:s13], [sflag:$0x1] =	stream.indirect.gather [hbm4b:s4+s12], $0x80, s30, s12, $0xb8;
	[tilespmem:$0x1F400] =	vst v63  }
0x50: {  	_ =	swait.ge [sflag:s14], $0x4000  }
0x51: {  	[sflag:s14] =	ssyncset.done $0x0  }
0x52: {  	s31 =	simm.s32 $0x2800;
	[sflag:s14] =	ssyncadd.s32 $0xFFFFC000  }
0x53: {  	[spmem:s2] =	stream.indirect.scatter.add.f32 [tilespmem:s13], [sflag:$0x2], $0x80, s31, s12, $0xb8;
	[tilespmem:$0x1F400] =	vst v63  }
0x54: {  	_ =	swait.ge [sflag:s11], $0x4000  }
0x55: {  	s16 =	simm.s32 $0x80;
	s17 =	simm.s32 $0x400;
	[sflag:s11] =	ssyncset.done $0x0  }
.LBB2_4:
0x56: {  	s18 =	sadd.s32 $0x5000, s16  }
0x57: {  	[sflag:s11] =	ssyncadd.s32 $0xFFFFC000;
	s19 =	smov.u32 s17;
	s20 =	sadd.s32 $0x200, s17  }
0x58: {  	[tilespmem:s13], [sflag:$0x1] =	stream.indirect.gather [hbm4b:s4+s12], $0x80, s18, s12, $0xb8;
	[tilespmem:$0x1F400] =	vst v63  }
0x59: {  	p0 =	sne.s32 s17, $0x9C00;
	_ =	swait.ge [sflag:s14], $0x4000  }
.Ltmp1:
0x5a: {  	[sflag:s14] =	ssyncset.done $0x0;
	(pc) =	sbr.rel @p0 .LBB2_4-.Ltmp1, $4  }
0x5b: {  	s16 =	sadd.s32 $0x2800, s16;
	[sflag:s14] =	ssyncadd.s32 $0xFFFFC000  }
0x5c: {  	[spmem:s2] =	stream.indirect.scatter.add.f32 [tilespmem:s13], [sflag:$0x2], $0x80, s16, s12, $0xb8;
	[tilespmem:$0x1F400] =	vst v63  }
0x5d: {  	_ =	swait.ge [sflag:s11], $0x4000  }
0x5e: {  	s17 =	smov.u32 s20;
	s16 =	sshra.s32 s19, $0x2;
	[sflag:s11] =	ssyncset.done $0x0  }
0x5f: {  	s17 =	sadd.s32 $0x5000, s16;
	[sflag:s11] =	ssyncadd.s32 $0xFFFFC000  }
0x60: {  	[tilespmem:s13], [sflag:$0x1] =	stream.indirect.gather [hbm4b:s4+s12], $0x80, s17, s12, $0xb8;
	[tilespmem:$0x1F400] =	vst v63  }
0x61: {  	_ =	swait.ge [sflag:s14], $0x4000  }
0x62: {  	[sflag:s14] =	ssyncset.done $0x0  }
0x63: {  	s31 =	sadd.s32 $0x2800, s16;
	[sflag:s14] =	ssyncadd.s32 $0xFFFFC000  }
0x64: {  	[spmem:s2] =	stream.indirect.scatter.add.f32 [tilespmem:s13], [sflag:$0x2], $0x80, s31, s12, $0xb8;
	[tilespmem:$0x1F400] =	vst v63  }
0x65: {  	_ =	swait.ge [sflag:s11], $0x4000  }
0x66: {  	s15 =	sadd.s32 $0x1, s15;
	[sflag:s11] =	ssyncset.done $0x0  }
0x67: {  	p0 =	sne.s32 s15, s9;
	[sflag:s11] =	ssyncadd.s32 $0xFFFFC000  }
.Ltmp2:
0x68: {  	[bflag:$0x0] =	sbarrier.arrive $0xFFFF;
	(pc) =	sbr.rel @p0 .LBB2_1-.Ltmp2, $4  }
0x69: {  	[hbm:s8], [sflag:s6] =	dma.local [spmem:s10], $0x2780  }
0x6a: {  	_ =	swait.ge [sflag:s11], $0x2780  }
0x6b: {  	[sflag:s11] =	ssyncset.done $0x0  }
0x6c: {  	[sflag:s11] =	ssyncadd.s32 $0xFFFFD880  }
0x6d: {  	_ =	sfence.sel $0x180000  }
0x6e: {  	[bflag:$0x0] =	sbarrier.arrive $0xFFFF  }
0x6f: {  	p0 =	sne.s32 s1, $0x0;
	_ =	strace $0x9000004D  }
0x70: {  	s0 =	sadd.s32 @!p0 $0x100000, s0;
	[bflag:$0x2] =	sbarrier.arrive $0xFFFF  }
0x71: {  	[sflag:s0] =	ssyncadd.tile.s32 @!p0 $0x1;
	_ =	shalt  }
.Lfunc_end2:
_tile_overlayer_lowered:
.L_overlay_start_2:
0x72: {  	(tag) =	ssettag $0x2  }
0x73: {  	s0 =	rddreg [dreg:$0x0];
	s2 =	stileid.u32  }
0x74: {  	s1 =	rddreg [dreg:$0x1];
	p0 =	sne.s32 s2, $0x0  }
0x75: {  	s3 =	rddreg [dreg:$0x2];
	[bflag:$0x3] =	sbarrier.arrive $0xFFFF;
	s2 =	simm.s32 @!p0 $0x1C02  }
0x76: {  	[timem:s3], [sflag:s2] =	dma.local @!p0 [hbm:s0], s1  }
0x77: {  	s0 =	simm.s32 @!p0 $0x2  }
0x78: {  	_ =	swait.ge @!p0 [sflag:s0], s1  }
0x79: {  	s1 =	ssub.s32 @!p0 $0x0, s1;
	[sflag:s0] =	ssyncset.done @!p0 $0x0  }
0x7a: {  	[sflag:s0] =	ssyncadd.s32 @!p0 s1  }
0x7b: {  	[bflag:$0x3] =	sbarrier.arrive $0xFFFF  }
0x7c: {  	_ =	shalt  }

// kernel: kernel.8.cloned.1.call-start
scs
__scs_entry_jumppad:
0x0: {  	(pc) =	sbr.rel $0x88, $3  }
0x1: {  	(tag) =	ssettag $0x0;
	lr =	simm.s32 $0x1  }
0x2: {  	[smem:$0x3F9B] =	sst lr;
	_ =	strace $0xD0000000  }
0x3: {  	_ = 	snop  }
0x4: {  	_ = 	snop  }
0x5: {  	_ = 	snop  }
0x6: {  	_ = 	snop  }
0x7: {  	_ = 	snop  }
__scs_overlays_trampoline_lowered:
0x8: {  	[smem:$0x3FAA] =	sst s0  }
0x9: {  	[smem:$0x3FAB] =	sst s1  }
0xa: {  	[smem:$0x3FAC] =	sst s2  }
0xb: {  	[smem:$0x3FAD] =	sst s3  }
0xc: {  	[smem:$0x3FAE] =	sst s4  }
0xd: {  	[smem:$0x3FAF] =	sst s5  }
0xe: {  	[smem:$0x3FB0] =	sst s6  }
0xf: {  	[smem:$0x3FB1] =	sst s7  }
0x10: {  	[smem:$0x3FB2] =	sst s8  }
0x11: {  	[smem:$0x3FB3] =	sst s9;
	s0 =	simm.s32 @!p0 $0x0  }
0x12: {  	s1 =	sld [smem:$0x3F99];
	s0 =	simm.s32 @p0 $0x1  }
0x13: {  	[smem:$0x3FB4] =	sst s0;
	s0 =	simm.s32 @!p1 $0x0  }
0x14: {  	s2 =	sld [smem:$0x3F98];
	s0 =	simm.s32 @p1 $0x1  }
0x15: {  	[smem:$0x3FB5] =	sst s0;
	s0 =	simm.s32 @!p2 $0x0  }
0x16: {  	s3 =	sld [smem:$0x3FDB];
	s0 =	simm.s32 @p2 $0x1  }
0x17: {  	s4 =	simm.s32 $0x1BF5;
	[smem:$0x3FB7] =	sst s0  }
0x18: {  	s0 =	sld [smem:$0x3F9A];
	_ =	swait.ge [sflag:s4], $0x0  }
0x19: {  	s7 =	sld [smem:$0x3F9B]  }
0x1a: {  	s8 =	sadd.s32 $0xFFFFE003, lr  }
0x1b: {  	s9 =	sadd.s32 $0xFFFFFEF7, lr;
	s5 =	simm.s32 $0xFFFFFFFF;
	p2 =	slt.u32 s8, $0xFFFFF086  }
0x1c: {  	p1 =	slt.u32 s9, $0xF7A;
	s5 =	simm.s32 @!p2 $0x0  }
0x1d: {  	s5 =	simm.s32 @p1 $0x1;
	p0 =	seq.s32 s7, s2  }
0x1e: {  	s7 =	smul.u32 @!p0 $0xF7A, s2;
	p2 =	seq.s32 @!p0 s5, $0x0  }
0x1f: {  	s9 =	smul.u32 $0xF7A, s1;
	s8 =	simm.s32 @!p0 $0x1BF5;
	p2 =	por !p2, p0  }
0x20: {  	[sflag:s8] =	ssyncset.s32 @!p0 $0xFFFFF086;
	s6 =	sadd.s32 @!p0 s3, s7;
	s7 =	simm.s32 @!p0 $0x108  }
0x21: {  	s3 =	sadd.s32 s3, s9;
	s6 =	sadd.s32 @!p0 $0x88, s6;
	s7 =	simm.s32 @p2 $0x1082  }
0x22: {  	[simem:s7], [sflag:s8] =	dma.local @!p0 [hbm:s6], $0xF7A  }
0x23: {  	s9 =	sor.u32 $0xD0000000, s2;
	s6 =	simm.s32 $0x108;
	_ =	swait.ge @!p0 [sflag:s8], $0x0  }
0x24: {  	s3 =	sadd.s32 $0x88, s3;
	s6 =	simm.s32 @!p1 $0x1082;
	[sflag:s4] =	ssyncset.s32 $0xFFFFF086  }
0x25: {  	[simem:s6], [sflag:s4] =	dma.local [hbm:s3], $0xF7A  }
0x26: {  	[smem:$0x3F9B] =	sst s1;
	(tag) =	ssettag s2;
	_ =	strace s9  }
0x27: {  	s1 =	sld [smem:$0x3FAB]  }
0x28: {  	s2 =	sld [smem:$0x3FAC]  }
0x29: {  	s4 =	sld [smem:$0x3FAE]  }
0x2a: {  	p0 =	seq.s32 s5, $0x0;
	s5 =	sld [smem:$0x3FAF]  }
0x2b: {  	s6 =	sld [smem:$0x3FB0]  }
0x2c: {  	s7 =	sld [smem:$0x3FB1]  }
0x2d: {  	s3 =	simm.s32 $0x108;
	s8 =	sld [smem:$0x3FB2]  }
0x2e: {  	s3 =	simm.s32 @!p0 $0x1082;
	s9 =	sld [smem:$0x3FB3]  }
0x2f: {  	lr =	sadd.s32 s0, s3;
	s0 =	sld [smem:$0x3FAA]  }
0x30: {  	s3 =	sld [smem:$0x3FAD]  }
0x31: {  	[smem:$0x3FB6] =	sst s10  }
0x32: {  	s10 =	sld [smem:$0x3FB4];
	_ =	sdelay $0x3  }
0x33: {  	p0 =	seq.s32 s10, $0x1;
	s10 =	sld [smem:$0x3FB6];
	_ =	sdelay $0x3  }
0x34: {  	[smem:$0x3FB6] =	sst s10  }
0x35: {  	s10 =	sld [smem:$0x3FB5];
	_ =	sdelay $0x3  }
0x36: {  	p1 =	seq.s32 s10, $0x1;
	s10 =	sld [smem:$0x3FB6];
	_ =	sdelay $0x3  }
0x37: {  	[smem:$0x3FB6] =	sst s10  }
0x38: {  	s10 =	sld [smem:$0x3FB7]  }
0x39: {  	_ = 	snop;
	(pc) =	sbr.ind lr, $3  }
0x3a: {  	_ = 	snop  }
0x3b: {  	_ = 	snop  }
0x3c: {  	p2 =	seq.s32 s10, $0x1;
	s10 =	sld [smem:$0x3FB6]  }
0x3d: {  	_ =	shalt  }
0x3e: {  	_ =	shalt  }
0x3f: {  	_ =	shalt  }
0x40: {  	_ =	shalt  }
0x41: {  	_ =	shalt  }
0x42: {  	_ =	shalt  }
0x43: {  	_ =	shalt  }
0x44: {  	_ =	shalt  }
0x45: {  	_ =	shalt  }
0x46: {  	_ =	shalt  }
0x47: {  	_ =	shalt  }
0x48: {  	_ =	shalt  }
0x49: {  	_ =	shalt  }
0x4a: {  	_ =	shalt  }
0x4b: {  	_ =	shalt  }
0x4c: {  	_ =	shalt  }
0x4d: {  	_ =	shalt  }
0x4e: {  	_ =	shalt  }
0x4f: {  	_ =	shalt  }
0x50: {  	_ =	shalt  }
0x51: {  	_ =	shalt  }
0x52: {  	_ =	shalt  }
0x53: {  	_ =	shalt  }
0x54: {  	_ =	shalt  }
0x55: {  	_ =	shalt  }
0x56: {  	_ =	shalt  }
0x57: {  	_ =	shalt  }
0x58: {  	_ =	shalt  }
0x59: {  	_ =	shalt  }
0x5a: {  	_ =	shalt  }
0x5b: {  	_ =	shalt  }
0x5c: {  	_ =	shalt  }
0x5d: {  	_ =	shalt  }
0x5e: {  	_ =	shalt  }
0x5f: {  	_ =	shalt  }
0x60: {  	_ =	shalt  }
0x61: {  	_ =	shalt  }
0x62: {  	_ =	shalt  }
0x63: {  	_ =	shalt  }
0x64: {  	_ =	shalt  }
0x65: {  	_ =	shalt  }
0x66: {  	_ =	shalt  }
0x67: {  	_ =	shalt  }
0x68: {  	_ =	shalt  }
0x69: {  	_ =	shalt  }
0x6a: {  	_ =	shalt  }
0x6b: {  	_ =	shalt  }
0x6c: {  	_ =	shalt  }
0x6d: {  	_ =	shalt  }
0x6e: {  	_ =	shalt  }
0x6f: {  	_ =	shalt  }
0x70: {  	_ =	shalt  }
0x71: {  	_ =	shalt  }
0x72: {  	_ =	shalt  }
0x73: {  	_ =	shalt  }
0x74: {  	_ =	shalt  }
0x75: {  	_ =	shalt  }
0x76: {  	_ =	shalt  }
0x77: {  	_ =	shalt  }
0x78: {  	_ =	shalt  }
0x79: {  	_ =	shalt  }
0x7a: {  	_ =	shalt  }
0x7b: {  	_ =	shalt  }
0x7c: {  	_ =	shalt  }
0x7d: {  	_ =	shalt  }
0x7e: {  	_ =	shalt  }
0x7f: {  	_ =	shalt  }
0x80: {  	_ =	shalt  }
0x81: {  	_ =	shalt  }
0x82: {  	_ =	shalt  }
0x83: {  	_ =	shalt  }
0x84: {  	_ =	shalt  }
0x85: {  	_ =	shalt  }
0x86: {  	_ =	shalt  }
0x87: {  	_ =	shalt  }
.Lfunc_end0:
.L_simem_size_0:
called_computation_lowered:
.L_overlay_start_0:
0x88: {  	s2 =	sld [smem:$0x3FD9]  }
0x89: {  	s3 =	sld [smem:$0x3FFE];
	_ =	sdelay $0x1  }
0x8a: {  	s1 =	srdreg.scid  }
0x8b: {  	s0 =	sand.u32 $0x1, s1  }
0x8c: {  	s17 =	sshll.u32 s0, $0xA;
	s2 =	sadd.s32 s3, s2  }
0x8d: {  	s2 =	sadd.s32 s2, s17  }
0x8e: {  	[smem:$0x3FC2] =	sst s2  }
0x8f: {  	_ = 	snop  }
0x90: {  	s2 =	sld [smem:$0x3FD0];
	(tm) =	ssettm $0x1  }
0x91: {  	s18 =	sld [smem:$0x3FFB];
	_ =	sdelay $0x3  }
0x92: {  	_ =	strace s18  }
0x93: {  	s3 =	sld [smem:$0x3FFC];
	_ =	sdelay $0x3  }
0x94: {  	_ =	strace s3  }
0x95: {  	s3 =	sld [smem:$0x3FFD];
	_ =	sdelay $0x3  }
0x96: {  	_ =	strace s3  }
0x97: {  	_ =	strace $0x8FFFFFFF  }
0x98: {  	s19 =	sld [smem:$0x3FDB];
	_ =	sdelay $0x1  }
0x99: {  	s4 =	simm.s32 $_scs_section_size  }
0x9a: {  	s5 =	simm.s32 $_size__tile_overlayer_lowered;
	s6 =	simm.s32 $_tile_overlayer_lowered  }
0x9b: {  	s22 =	simm.s32 $0x1BFF;
	s21 =	sshll.u32 s6, $0x1;
	s3 =	sadd.s32 s4, s19  }
0x9c: {  	s7 =	simm.s32 $0x0;
	s20 =	sshll.u32 s5, $0x1;
	s5 =	sadd.s32 s21, s3  }
0x9d: {  	[timem:s7], [sflag:s22] =	dma.local [hbm:s5], s20  }
0x9e: {  	_ =	swait.ge [sflag:s22], s20  }
0x9f: {  	s4 =	ssub.s32 $0x0, s20;
	[sflag:s22] =	ssyncset.done $0x0  }
0xa0: {  	[sflag:s22] =	ssyncadd.s32 s4;
	_ =	sdelay $0x1  }
0xa1: {  	s23 =	simm.s32 $0x1B8B  }
0xa2: {  	_ =	swait.ge [sflag:s23], $0x1  }
0xa3: {  	[sflag:s23] =	ssyncset.done $0x0  }
0xa4: {  	s25 =	simm.s32 $0x1B8E;
	s24 =	sld [smem:$0x3FFE];
	[sflag:s23] =	ssyncadd.s32 $0xFFFFFFFF  }
0xa5: {  	s26 =	simm.s32 $execute0_lowered;
	[smem:$0x3FD2] =	sst s25  }
0xa6: {  	s5 =	sshll.u32 s26, $0x1;
	_ =	strace $0x80000046;
	[dreg:$0x1] =	wrdreg $0xFFFFFFFF  }
0xa7: {  	s28 =	simm.s32 $_size_execute0_lowered;
	s3 =	sadd.s32 s3, s5;
	[dreg:$0x0] =	wrdreg $0x0  }
0xa8: {  	s5 =	sshll.u32 s28, $0x1;
	[dreg:$0x2] =	wrdreg s3  }
0xa9: {  	[dreg:$0x3] =	wrdreg s5  }
0xaa: {  	[dreg:$0x4] =	wrdreg $0xC0  }
0xab: {  	_ =	task [dreg:s7], $0x5FFFF  }
0xac: {  	[dreg:$0x1] =	wrdreg $0xFFFFFFFF  }
0xad: {  	[dreg:$0x0] =	wrdreg $0x60  }
0xae: {  	[dreg:$0x2] =	wrdreg s2  }
0xaf: {  	[dreg:$0x3] =	wrdreg s24  }
0xb0: {  	[dreg:$0x4] =	wrdreg $0x90000  }
0xb1: {  	[dreg:$0x5] =	wrdreg $0x9  }
0xb2: {  	_ =	task.clear_ibuf [dreg:s7], $0x6FFFF;
	_ =	strace $0x90000046  }
0xb3: {  	s29 =	simm.s32 $0x9;
	_ =	strace $0x80000048  }
0xb4: {  	_ =	swait.ge [sflag:s29], $0x1  }
0xb5: {  	[sflag:s29] =	ssyncadd.s32 $0xFFFFFFFF  }
0xb6: {  	_ =	strace $0x90000048  }
0xb7: {  	_ =	sfence  }
0xb8: {  	s30 =	sld [smem:$0x0];
	_ =	sdelay $0x2  }
0xb9: {  	s31 =	sshll.u32 s1, $0xD;
	s1 =	sshrl.u32 s1, $0x2  }
0xba: {  	s3 =	sand.u32 $0x4000, s31;
	s1 =	sadd.s32 s1, s30  }
0xbb: {  	s0 =	sor.u32 s3, s0;
	s1 =	sshll.u32 s1, $0x11  }
0xbc: {  	s0 =	sor.u32 s1, s0  }
0xbd: {  	s0 =	sadd.s32 $0x8F2B, s0  }
0xbe: {  	[sflag:s0] =	ssyncadd.remote.s32 $0x1  }
0xbf: {  	_ =	sfence.sel $0xFFFF  }
0xc0: {  	[dreg:$0x0] =	wrdreg $0xFFFFFFFF;
	(pc) =	sbr.abs _section_cstart, $3  }
0xc1: {  	[dreg:$0x1] =	wrdreg $0xFFFFFFFF  }
0xc2: {  	_ =	task.clear_ibuf [dreg:s7], $0x2FFFF;
	_ =	strace $0x9FFFFFFF  }
0xc3: {  	(tm) =	ssettm $0x7FFFFFFF  }
tec
execute0_lowered:
.L_overlay_start_1:
0x0: {  	(tag) =	ssettag $0x1  }
0x1: {  	s6 =	rddreg [dreg:$0x0];
	s0 =	stileid.u32  }
0x2: {  	s1 =	srdreg.scid;
	s4 =	rddreg [dreg:$0x1]  }
0x3: {  	s2 =	rddreg [dreg:$0x2];
	s3 =	simm.s32 $0x0;
	s12 =	simm.s32 $0x5000  }
0x4: {  	s5 =	smul.u32 $0x13C00, s0;
	s7 =	sand.u32 $0x1, s1;
	s1 =	rddreg [dreg:$0x3]  }
0x5: {  	s13 =	simm.s32 $0x0;
	[smem:$0x7FF] =	sst s3;
	s10 =	smul.u32 $0x4F000, s0  }
0x6: {  	s31 =	sshll.u32 s0, $0x6;
	s8 =	smul.u32 $0x13C000, s7;
	_ =	strace $0x80000047  }
0x7: {  	s26 =	ssub.s32 $0x2, s7;
	s7 =	sshll.u32 s7, $0x4;
	s9 =	sshrl.u32 s5, $0x3  }
0x8: {  	s28 =	sshrl.u32 s26, $0x1;
	s29 =	sor.u32 s0, s7;
	s30 =	sshrl.u32 s10, $0x2  }
0x9: {  	s5 =	sadd.s32 s5, s8;
	s25 =	sadd.s32 s9, s4;
	s9 =	ssub.s32 s26, s28  }
0xa: {  	s7 =	smul.u32 $0x500, s29;
	s10 =	sadd.s32 s30, s2;
	s5 =	sshrl.u32 s5, $0x3  }
0xb: {  	s8 =	smax.u32 s9, $0x1;
	s9 =	sshrl.u32 s10, $0x3;
	s10 =	simm.s32 $0x1  }
0xc: {  	vm0 =	vcmask $0x300;
	v0 =	vimm.f32 $0.0e+00;
	s11 =	sadd.s32 s5, s4;
	s4 =	sadd.s32 $0x2C00, s25;
	s5 =	sor.u32 $0x1C01, s31  }
0xd: {  	v1 =	vsel vm0, $0x3F800000, v0;
	s6 =	sadd.s32 s6, s7;
	s7 =	sadd.s32 $0x2A400, s11;
	s11 =	simm.s32 $0x80  }
.LBB2_1:
0xe: {  	[spmem:s9], [sflag:s5] =	dma.local [hbm:s4], $0x2780  }
0xf: {  	_ =	swait.ge [sflag:s10], $0x2780  }
0x10: {  	[sflag:s10] =	ssyncset.done $0x0  }
0x11: {  	[sflag:s10] =	ssyncadd.s32 $0xFFFFD880  }
0x12: {  	[tilespmem:s3], [sflag:$0x1] =	stream.linear.gather [hbm4b:s6+s3], $0x2780, $0x38;
	[tilespmem:$0x1CC00] =	vst v63  }
0x13: {  	_ =	swait.ge [sflag:s10], $0x2780  }
0x14: {  	[sflag:s10] =	ssyncset.done $0x0  }
0x15: {  	s15 =	simm.s32 $0x0;
	[sflag:s10] =	ssyncadd.s32 $0xFFFFD880  }
0x16: {  	v3 =	vld [tilespmem:s15+$0x70]  }
0x17: {  	v6 =	vld [tilespmem:s15+$0x0]  }
0x18: {  	v7 =	vld [tilespmem:s15+$0x10]  }
0x19: {  	v5 =	vld [tilespmem:s15+$0x20]  }
0x1a: {  	v4 =	vld [tilespmem:s15+$0x30]  }
0x1b: {  	v2 =	vld [tilespmem:s15+$0x40];
	v8 =	vshrl.u32 v3, $0x10  }
0x1c: {  	v3 =	vld [tilespmem:s15+$0x50];
	v6 =	vshrl.u32 v6, $0x10;
	[tilespmem:s15+$0x2870] =	vst v8  }
0x1d: {  	s14 =	simm.s32 $0x80;
	s16 =	simm.s32 $0x400;
	v7 =	vshrl.u32 v7, $0x10;
	[tilespmem:s15+$0x2800] =	vst v6;
	v6 =	vld [tilespmem:s15+$0x60]  }
.LBB2_2:
0x1e: {  	p0 =	sne.s32 s16, $0x9C00;
	v8 =	vld [tilespmem:s14+$0x70];
	[tilespmem:s15+$0x2810] =	vst v7;
	v5 =	vshrl.u32 v5, $0x10  }
0x1f: {  	v7 =	vld [tilespmem:s14+$0x0];
	[tilespmem:s15+$0x2820] =	vst v5;
	v4 =	vshrl.u32 v4, $0x10  }
0x20: {  	v9 =	vld [tilespmem:s14+$0x10];
	[tilespmem:s15+$0x2830] =	vst v4;
	v2 =	vshrl.u32 v2, $0x10  }
.Ltmp0:
0x21: {  	v5 =	vld [tilespmem:s14+$0x20];
	[tilespmem:s15+$0x2840] =	vst v2;
	v2 =	vshrl.u32 v3, $0x10;
	(pc) =	sbr.rel @p0 .LBB2_2-.Ltmp0, $4  }
0x22: {  	v4 =	vld [tilespmem:s14+$0x30];
	[tilespmem:s15+$0x2850] =	vst v2;
	v3 =	vshrl.u32 v6, $0x10  }
0x23: {  	v2 =	vld [tilespmem:s14+$0x40];
	v6 =	vshrl.u32 v8, $0x10;
	[tilespmem:s15+$0x2860] =	vst v3;
	s15 =	smov.u32 s14  }
0x24: {  	v7 =	vshrl.u32 v7, $0x10;
	v3 =	vld [tilespmem:s15+$0x50];
	[tilespmem:s15+$0x2870] =	vst v6  }
0x25: {  	s14 =	sshra.s32 s16, $0x2;
	s16 =	sadd.s32 $0x200, s16;
	[tilespmem:s15+$0x2800] =	vst v7;
	v7 =	vshrl.u32 v9, $0x10;
	v6 =	vld [tilespmem:s15+$0x60]  }
0x26: {  	v8 =	vld [tilespmem:s14+$0x70];
	[tilespmem:s15+$0x2810] =	vst v7;
	v5 =	vshrl.u32 v5, $0x10  }
0x27: {  	v7 =	vld [tilespmem:s14+$0x0];
	[tilespmem:s15+$0x2820] =	vst v5;
	v4 =	vshrl.u32 v4, $0x10  }
0x28: {  	v5 =	vld [tilespmem:s14+$0x10];
	[tilespmem:s15+$0x2830] =	vst v4;
	v2 =	vshrl.u32 v2, $0x10  }
0x29: {  	v4 =	vld [tilespmem:s14+$0x20];
	[tilespmem:s15+$0x2840] =	vst v2;
	v2 =	vshrl.u32 v3, $0x10  }
0x2a: {  	v3 =	vld [tilespmem:s14+$0x30];
	[tilespmem:s15+$0x2850] =	vst v2;
	v2 =	vshrl.u32 v6, $0x10  }
0x2b: {  	v61 =	vld [tilespmem:s14+$0x40];
	[tilespmem:s15+$0x2860] =	vst v2;
	v2 =	vshrl.u32 v8, $0x10  }
0x2c: {  	v62 =	vld [tilespmem:s14+$0x50];
	v7 =	vshrl.u32 v7, $0x10;
	[tilespmem:s14+$0x2870] =	vst v2  }
0x2d: {  	v63 =	vld [tilespmem:s14+$0x60];
	[tilespmem:s14+$0x2800] =	vst v7;
	v2 =	vshrl.u32 v5, $0x10  }
0x2e: {  	[tilespmem:s14+$0x2810] =	vst v2;
	v2 =	vshrl.u32 v4, $0x10  }
0x2f: {  	[tilespmem:s14+$0x2820] =	vst v2;
	v2 =	vshrl.u32 v3, $0x10  }
0x30: {  	[tilespmem:s14+$0x2830] =	vst v2;
	v2 =	vshrl.u32 v61, $0x10  }
0x31: {  	[tilespmem:s14+$0x2840] =	vst v2;
	v2 =	vshrl.u32 v62, $0x10  }
0x32: {  	[tilespmem:s14+$0x2850] =	vst v2;
	v2 =	vshrl.u32 v63, $0x10  }
0x33: {  	s15 =	simm.s32 $0x200;
	[tilespmem:s14+$0x2860] =	vst v2;
	s14 =	simm.s32 $0x0  }
.LBB2_4:
0x34: {  	p0 =	sne.s32 s15, $0xFE00;
	[tilespmem:s14+$0x5070] =	vst v0  }
0x35: {  	[tilespmem:s14+$0x5000] =	vst v1  }
0x36: {  	[tilespmem:s14+$0x5010] =	vst v0  }
.Ltmp1:
0x37: {  	[tilespmem:s14+$0x5020] =	vst v0;
	(pc) =	sbr.rel @p0 .LBB2_4-.Ltmp1, $4  }
0x38: {  	[tilespmem:s14+$0x5030] =	vst v0  }
0x39: {  	[tilespmem:s14+$0x5040] =	vst v0  }
0x3a: {  	[tilespmem:s14+$0x5050] =	vst v0  }
0x3b: {  	[tilespmem:s14+$0x5060] =	vst v0;
	s14 =	sshra.s32 s15, $0x2;
	s15 =	sadd.s32 $0x200, s15  }
0x3c: {  	[tilespmem:s14+$0x5070] =	vst v0  }
0x3d: {  	[tilespmem:s14+$0x5000] =	vst v1  }
0x3e: {  	[tilespmem:s14+$0x5010] =	vst v0  }
0x3f: {  	[tilespmem:s14+$0x5020] =	vst v0  }
0x40: {  	[tilespmem:s14+$0x5030] =	vst v0  }
0x41: {  	[tilespmem:s14+$0x5040] =	vst v0  }
0x42: {  	[tilespmem:s14+$0x5050] =	vst v0  }
0x43: {  	[tilespmem:s14+$0x5060] =	vst v0  }
0x44: {  	s31 =	simm.s32 $0x2800;
	[bflag:$0x0] =	sbarrier.arrive $0xFFFF  }
0x45: {  	[spmem:s2] =	stream.indirect.scatter.add.f32 [tilespmem:s12], [sflag:$0x1], $0x80, s31, s11, $0xb8;
	[tilespmem:$0x1CC00] =	vst v63  }
0x46: {  	s14 =	simm.s32 $0x200;
	_ =	swait.ge [sflag:s10], $0x4000  }
.LBB2_6:
0x47: {  	s15 =	sshra.s32 s14, $0x2;
	[sflag:s10] =	ssyncset.done $0x0;
	p0 =	sne.s32 s14, $0x9C00  }
.Ltmp2:
0x48: {  	s15 =	sadd.s32 $0x2800, s15;
	[sflag:s10] =	ssyncadd.s32 $0xFFFFC000;
	(pc) =	sbr.rel @p0 .LBB2_6-.Ltmp2, $3  }
0x49: {  	[spmem:s2] =	stream.indirect.scatter.add.f32 [tilespmem:s12], [sflag:$0x1], $0x80, s15, s11, $0xb8;
	[tilespmem:$0x1CC00] =	vst v63  }
0x4a: {  	s14 =	sadd.s32 $0x200, s14;
	_ =	sdelay $0x1  }
0x4b: {  	_ =	swait.ge [sflag:s10], $0x4000  }
0x4c: {  	[sflag:s10] =	ssyncset.done $0x0;
	s13 =	sadd.s32 $0x1, s13  }
0x4d: {  	[sflag:s10] =	ssyncadd.s32 $0xFFFFC000;
	p0 =	sne.s32 s13, s8  }
.Ltmp3:
0x4e: {  	[bflag:$0x0] =	sbarrier.arrive $0xFFFF;
	(pc) =	sbr.rel @p0 .LBB2_1-.Ltmp3, $4  }
0x4f: {  	[hbm:s7], [sflag:s5] =	dma.local [spmem:s9], $0x2780  }
0x50: {  	_ =	swait.ge [sflag:s10], $0x2780  }
0x51: {  	[sflag:s10] =	ssyncset.done $0x0  }
0x52: {  	[sflag:s10] =	ssyncadd.s32 $0xFFFFD880  }
0x53: {  	_ =	sfence.sel $0x180000  }
0x54: {  	[bflag:$0x0] =	sbarrier.arrive $0xFFFF  }
0x55: {  	p0 =	sne.s32 s0, $0x0;
	_ =	strace $0x90000047  }
0x56: {  	s0 =	sadd.s32 @!p0 $0x100000, s1;
	[bflag:$0x2] =	sbarrier.arrive $0xFFFF  }
0x57: {  	[sflag:s0] =	ssyncadd.tile.s32 @!p0 $0x1;
	_ =	shalt  }
.Lfunc_end2:
_tile_overlayer_lowered:
.L_overlay_start_2:
0x58: {  	(tag) =	ssettag $0x2  }
0x59: {  	s0 =	rddreg [dreg:$0x0];
	s2 =	stileid.u32  }
0x5a: {  	s1 =	rddreg [dreg:$0x1];
	p0 =	sne.s32 s2, $0x0  }
0x5b: {  	s3 =	rddreg [dreg:$0x2];
	[bflag:$0x3] =	sbarrier.arrive $0xFFFF;
	s2 =	simm.s32 @!p0 $0x1C01  }
0x5c: {  	[timem:s3], [sflag:s2] =	dma.local @!p0 [hbm:s0], s1  }
0x5d: {  	s0 =	simm.s32 @!p0 $0x1  }
0x5e: {  	_ =	swait.ge @!p0 [sflag:s0], s1  }
0x5f: {  	s1 =	ssub.s32 @!p0 $0x0, s1;
	[sflag:s0] =	ssyncset.done @!p0 $0x0  }
0x60: {  	[sflag:s0] =	ssyncadd.s32 @!p0 s1  }
0x61: {  	[bflag:$0x3] =	sbarrier.arrive $0xFFFF  }
0x62: {  	_ =	shalt  }

</sc_bundles>
